<compile_context>
chip_gen: v7x
topology: tpu7x:2x2x1
jax: 0.10.2.dev20260603
libtpu: 0.0.44.dev20260713+nightly
codegen_flags: <defaults>
</compile_context>

<pallas_src>
import jax
import jax.numpy as jnp
from jax import lax
from jax.experimental import pallas as pl
from jax.experimental.pallas import tpu as pltpu
from jax.experimental.pallas import tpu_sc as plsc

_TB = 8
_NW = 32


def _vq_body(ze_ref, cb_ref, zq_ref, tok_ref, loss_ref):
    step = pl.program_id(0)

    @pl.when(step == 0)
    def _init():
        loss_ref[0, 0] = 0.0

    B = ze_ref.shape[1]
    D = cb_ref.shape[1]
    K = cb_ref.shape[2]
    NC = K // 128
    kio0 = jax.lax.broadcasted_iota(jnp.int32, (B, 128), 1)
    ones_d = jnp.ones((1, D), jnp.float32)
    macc = jnp.zeros((B, 1), jnp.float32)
    for s in range(_TB):
        ze = ze_ref[s]
        ze_sq = jnp.sum(ze * ze, axis=1, keepdims=True)
        best_val = None
        best_idx = None
        for c in range(NC):
            cb_c = cb_ref[s, :, pl.ds(c * 128, 128)]
            scores_c = jax.lax.dot_general(
                ze, cb_c, (((1,), (0,)), ((), ())),
                preferred_element_type=jnp.float32)
            cbsq_c = jnp.sum(cb_c * cb_c, axis=0, keepdims=True)
            dist_c = ze_sq - 2.0 * scores_c + cbsq_c
            kio_c = kio0 + c * 128
            if c == 0:
                best_val, best_idx = dist_c, kio_c
            else:
                m = dist_c < best_val
                best_val = jnp.where(m, dist_c, best_val)
                best_idx = jnp.where(m, kio_c, best_idx)
        mind = jnp.min(best_val, axis=1, keepdims=True)
        idx = jnp.min(jnp.where(best_val == mind, best_idx, K), axis=1)
        tok_ref[s, :] = idx
        macc = macc + mind
        kio_full = jax.lax.broadcasted_iota(jnp.int32, (B, K), 1)
        oh = (kio_full == idx[:, None]).astype(jnp.float32)
        zq = jax.lax.dot_general(
            oh, cb_ref[s], (((1,), (1,)), ((), ())),
            preferred_element_type=jnp.float32)
        zq_ref[s] = ze + (zq - ze)
    loss_ref[0, 0] += jnp.sum(macc)


def _sc_util_body(tok_ref, util_ref, tok_v, table_v, cnt_v):
    wid = lax.axis_index("s") * 2 + lax.axis_index("c")
    pltpu.sync_copy(tok_ref.at[pl.ds(wid * 4, 4)], tok_v)

    zeros16 = jnp.zeros((16,), jnp.int32)
    ones16 = jnp.ones((16,), jnp.int32)

    def _zero(i, _):
        table_v[pl.ds(pl.multiple_of(i * 16, 16), 16)] = zeros16
        return ()
    lax.fori_loop(0, 256, _zero, ())

    for s in range(8):
        for c in range(4):
            off = s * 64 + c * 16
            tok = tok_v[off // 128, pl.ds(off % 128, 16)]
            plsc.store_scatter(table_v, [tok + s * 512], ones16)

    def _count(i, acc):
        return acc + table_v[pl.ds(pl.multiple_of(i * 16, 16), 16)]
    cnt_v[...] = lax.fori_loop(0, 256, _count, zeros16)
    pltpu.sync_copy(cnt_v, util_ref.at[wid])


def kernel(z_e, codebooks):
    B, T, D = z_e.shape
    K = codebooks.shape[1]
    nsteps = T // _TB

    ze_t = jnp.transpose(z_e, (1, 0, 2))
    cb_t = jnp.transpose(codebooks, (0, 2, 1))

    zq_t, tok_t, loss = pl.pallas_call(
        _vq_body,
        grid=(nsteps,),
        in_specs=[
            pl.BlockSpec((_TB, B, D), lambda i: (i, 0, 0)),
            pl.BlockSpec((_TB, D, K), lambda i: (i, 0, 0)),
        ],
        out_specs=[
            pl.BlockSpec((_TB, B, D), lambda i: (i, 0, 0)),
            pl.BlockSpec((_TB, B), lambda i: (i, 0)),
            pl.BlockSpec(block_shape=(1, 1), index_map=lambda i: (0, 0),
                         memory_space=pltpu.SMEM),
        ],
        out_shape=[
            jax.ShapeDtypeStruct((T, B, D), jnp.float32),
            jax.ShapeDtypeStruct((T, B), jnp.int32),
            jax.ShapeDtypeStruct((1, 1), jnp.float32),
        ],
    )(ze_t, cb_t)

    tok2 = tok_t.reshape(T * B // 128, 128)
    mesh = plsc.VectorSubcoreMesh(core_axis_name="c", subcore_axis_name="s",
                                  num_cores=2, num_subcores=16)
    sc_util = pl.kernel(
        _sc_util_body,
        out_type=jax.ShapeDtypeStruct((_NW, 16), jnp.int32),
        mesh=mesh,
        compiler_params=pltpu.CompilerParams(needs_layout_passes=False,
                                             use_tc_tiling_on_sc=False),
        scratch_types=[
            pltpu.VMEM((4, 128), jnp.int32),
            pltpu.VMEM((8 * 512,), jnp.int32),
            pltpu.VMEM((16,), jnp.int32),
        ],
    )
    util_parts = sc_util(tok2)

    zq = jnp.transpose(zq_t, (1, 0, 2))
    tokens = tok_t.T
    vq_loss = 0.25 * loss[0, 0] / (T * B * D)
    utilization = jnp.sum(util_parts) / (T * K)
    return zq, tokens, vq_loss, utilization

# --- scband reference (transcript-rebuilt; emitter-appended) ---
"""Pipeline reference for scband-product-quantizer-17540646437247 (READ-ONLY COPY).

The authoritative reference and input builder live on the scoring server;
editing this copy changes nothing except your own understanding.
"""

import jax, jax.numpy as jnp
import numpy as np

T = 256
K = 512
D = 64
B = 64
BETA = 0.25

def setup_inputs(seed: int = 0) -> dict:
    key = jax.random.key(seed)
    k1, k2 = jax.random.split(key)
    z_e = jax.random.normal(k1, (B, T, D), dtype=jnp.float32)
    codebooks = jax.random.uniform(k2, (T, K, D), dtype=jnp.float32, minval=-1.0 / K, maxval=1.0 / K)
    return {"z_e": z_e, "codebooks": codebooks}

def reference(z_e, codebooks):
    Bv, Tv, Dv = z_e.shape
    Kv = codebooks.shape[1]
    # [T, B, D] layout so each slot quantizes against its own codebook
    ze_t = jnp.transpose(z_e, (1, 0, 2))
    # squared L2 distances per slot: ||z||^2 - 2 z.w^T + ||w||^2 -> [T, B, K]
    dist = (
        jnp.sum(ze_t ** 2, axis=-1, keepdims=True)
        - 2.0 * jnp.einsum('tbd,tkd->tbk', ze_t, codebooks)
        + jnp.sum(codebooks ** 2, axis=-1)[:, None, :]
    )
    k_idx = jnp.argmin(dist, axis=-1)  # [T, B]
    # gather nearest codes per slot: [T, B, D]
    z_q = codebooks[jnp.arange(Tv)[:, None], k_idx]
    # straight-through estimator
    z_q_st = ze_t + jax.lax.stop_gradient(z_q - ze_t)
    # use_ema=True path: only commitment term, averaged over slots
    commitment_per_slot = jnp.mean((ze_t - jax.lax.stop_gradient(z_q)) ** 2, axis=(1, 2))
    vq_loss = BETA * jnp.mean(commitment_per_slot)
    # utilization: number of distinct codes used per slot, summed, / (T*K)
    unique_counts = jax.vmap(lambda kk: jnp.sum(jnp.bincount(kk, length=Kv) > 0))(k_idx)
    utilization = jnp.sum(unique_counts) / (Tv * Kv)
    z_q_st_out = jnp.transpose(z_q_st, (1, 0, 2))  # [B, T, D]
    tokens = jnp.transpose(k_idx, (1, 0))          # [B, T]
    return (z_q_st_out, tokens, vq_loss, utilization)

if __name__ == "__main__":
    import jax
    _d = setup_inputs()
    print(jax.jit(kernel)(*tuple(_d.values())))

</pallas_src>

<mosaic_0001>
#map = affine_map<(d0, d1) -> (0, 0)>
module attributes {stable_mosaic.version = 14 : i64} {
  func.func @_sc_util_body(%arg0: i32, %arg1: i32, %arg2: memref<128x128xi32, #tpu.memory_space<hbm>>, %arg3: memref<32x16xi32, #tpu.memory_space<hbm>>, %arg4: memref<4x128xi32, #tpu.memory_space<vmem>>, %arg5: memref<4096xi32, #tpu.memory_space<vmem>>, %arg6: memref<16xi32, #tpu.memory_space<vmem>>) attributes {dimension_semantics = [#tpu.dimension_semantics<core_parallel>, #tpu.dimension_semantics<subcore_parallel>], iteration_bounds = array<i64: 2, 16>, scalar_prefetch = 0 : i64, scratch_operands = 3 : i64, tpu.core_type = #tpu.core_type<sc_vector_subcore>, window_params = [{transform_indices = #map}, {transform_indices = #map}]} {
    %mul3A = arith.constant 2 : i32
    %mul3A_0 = arith.muli %arg1, %mul3A : i32
    %add3A = arith.addi %mul3A_0, %arg0 : i32
    %mul3A_1 = arith.constant 4 : i32
    %mul3A_2 = arith.muli %add3A, %mul3A_1 : i32
    "tpu.region"() ({
      %run_scoped3A = tpu.sem_alloc : memref<!tpu.dma_semaphore, #tpu.memory_space<semaphore_mem>>
      %dma_start3A = arith.constant 0 : i32
      %dma_start3A_240 = tpu.memref_slice %arg2[%mul3A_2, %dma_start3A] : memref<128x128xi32, #tpu.memory_space<hbm>> -> memref<4x128xi32, #tpu.memory_space<hbm>>
      %dma_start3A_241 = arith.constant 0 : i32
      %dma_start3A_242 = tpu.memref_slice %arg2[%mul3A_2, %dma_start3A_241] : memref<128x128xi32, #tpu.memory_space<hbm>> -> memref<4x128xi32, #tpu.memory_space<hbm>>
      tpu.enqueue_dma source(%dma_start3A_242 : memref<4x128xi32, #tpu.memory_space<hbm>>) target(%arg4 : memref<4x128xi32, #tpu.memory_space<vmem>>) target_semaphore(%run_scoped3A : memref<!tpu.dma_semaphore, #tpu.memory_space<semaphore_mem>>)
      %dma_wait3A = arith.constant 0 : i32
      %dma_wait3A_243 = tpu.memref_slice %arg2[%mul3A_2, %dma_wait3A] : memref<128x128xi32, #tpu.memory_space<hbm>> -> memref<4x128xi32, #tpu.memory_space<hbm>>
      %dma_wait3A_244 = arith.constant 0 : i32
      %dma_wait3A_245 = tpu.memref_slice %arg2[%mul3A_2, %dma_wait3A_244] : memref<128x128xi32, #tpu.memory_space<hbm>> -> memref<4x128xi32, #tpu.memory_space<hbm>>
      tpu.wait_dma2 semaphore(%run_scoped3A : memref<!tpu.dma_semaphore, #tpu.memory_space<semaphore_mem>>) src(%dma_wait3A_245 : memref<4x128xi32, #tpu.memory_space<hbm>>) dst(%arg4 : memref<4x128xi32, #tpu.memory_space<vmem>>)
      tpu.yield
    }) : () -> ()
    %broadcast_in_dim3A = arith.constant 0 : i32
    %broadcast_in_dim3A_3 = vector.broadcast %broadcast_in_dim3A : i32 to vector<16xi32>
    %broadcast_in_dim3A_4 = arith.constant 1 : i32
    %broadcast_in_dim3A_5 = vector.broadcast %broadcast_in_dim3A_4 : i32 to vector<16xi32>
    %scan3A = arith.constant 0 : i32
    %scan3A_6 = arith.constant 256 : i32
    %scan3A_7 = arith.addi %scan3A, %scan3A_6 : i32
    %scan3A_8 = arith.constant 1 : i32
    scf.for %scan3A_240 = %scan3A to %scan3A_7 step %scan3A_8  : i32 {
      %mul3A_241 = arith.constant 16 : i32
      %mul3A_242 = arith.muli %scan3A_240, %mul3A_241 : i32
      %multiple_of3A = tpu.assume_multiple %mul3A_242, 16 : i32
      %swap3A_243 = arith.index_cast %multiple_of3A : i32 to index
      %swap3A_244 = tpu.vector_load %arg5[%swap3A_243] {strides = array<i32>} : memref<4096xi32, #tpu.memory_space<vmem>>, vector<16xi32>,
      tpu.vector_store %arg5[%swap3A_243], %broadcast_in_dim3A_3 {strides = array<i32>} : memref<4096xi32, #tpu.memory_space<vmem>>, vector<16xi32>,
    }
    %scan3A_9 = arith.constant 256 : i32
    %get3A = arith.constant 0 : i32
    %get3A_10 = arith.index_cast %get3A : i32 to index
    %get3A_11 = arith.constant 0 : index
    %get3A_12 = tpu.vector_load %arg4[%get3A_10, %get3A_11] {strides = array<i32>} : memref<4x128xi32, #tpu.memory_space<vmem>>, vector<16xi32>,
    %add3A_13 = arith.constant 0 : i32
    %add3A_14 = vector.broadcast %add3A_13 : i32 to vector<16xi32>
    %add3A_15 = arith.addi %get3A_12, %add3A_14 : vector<16xi32>
    tpu.vector_store_idx %arg5[%add3A_15], %broadcast_in_dim3A_5 : memref<4096xi32, #tpu.memory_space<vmem>>[vector<16xi32>], vector<16xi32>,
    %get3A_16 = arith.constant 0 : i32
    %get3A_17 = arith.index_cast %get3A_16 : i32 to index
    %get3A_18 = arith.constant 16 : index
    %get3A_19 = tpu.vector_load %arg4[%get3A_17, %get3A_18] {strides = array<i32>} : memref<4x128xi32, #tpu.memory_space<vmem>>, vector<16xi32>,
    %add3A_20 = arith.constant 0 : i32
    %add3A_21 = vector.broadcast %add3A_20 : i32 to vector<16xi32>
    %add3A_22 = arith.addi %get3A_19, %add3A_21 : vector<16xi32>
    tpu.vector_store_idx %arg5[%add3A_22], %broadcast_in_dim3A_5 : memref<4096xi32, #tpu.memory_space<vmem>>[vector<16xi32>], vector<16xi32>,
    %get3A_23 = arith.constant 0 : i32
    %get3A_24 = arith.index_cast %get3A_23 : i32 to index
    %get3A_25 = arith.constant 32 : index
    %get3A_26 = tpu.vector_load %arg4[%get3A_24, %get3A_25] {strides = array<i32>} : memref<4x128xi32, #tpu.memory_space<vmem>>, vector<16xi32>,
    %add3A_27 = arith.constant 0 : i32
    %add3A_28 = vector.broadcast %add3A_27 : i32 to vector<16xi32>
    %add3A_29 = arith.addi %get3A_26, %add3A_28 : vector<16xi32>
    tpu.vector_store_idx %arg5[%add3A_29], %broadcast_in_dim3A_5 : memref<4096xi32, #tpu.memory_space<vmem>>[vector<16xi32>], vector<16xi32>,
    %get3A_30 = arith.constant 0 : i32
    %get3A_31 = arith.index_cast %get3A_30 : i32 to index
    %get3A_32 = arith.constant 48 : index
    %get3A_33 = tpu.vector_load %arg4[%get3A_31, %get3A_32] {strides = array<i32>} : memref<4x128xi32, #tpu.memory_space<vmem>>, vector<16xi32>,
    %add3A_34 = arith.constant 0 : i32
    %add3A_35 = vector.broadcast %add3A_34 : i32 to vector<16xi32>
    %add3A_36 = arith.addi %get3A_33, %add3A_35 : vector<16xi32>
    tpu.vector_store_idx %arg5[%add3A_36], %broadcast_in_dim3A_5 : memref<4096xi32, #tpu.memory_space<vmem>>[vector<16xi32>], vector<16xi32>,
    %get3A_37 = arith.constant 0 : i32
    %get3A_38 = arith.index_cast %get3A_37 : i32 to index
    %get3A_39 = arith.constant 64 : index
    %get3A_40 = tpu.vector_load %arg4[%get3A_38, %get3A_39] {strides = array<i32>} : memref<4x128xi32, #tpu.memory_space<vmem>>, vector<16xi32>,
    %add3A_41 = arith.constant 512 : i32
    %add3A_42 = vector.broadcast %add3A_41 : i32 to vector<16xi32>
    %add3A_43 = arith.addi %get3A_40, %add3A_42 : vector<16xi32>
    tpu.vector_store_idx %arg5[%add3A_43], %broadcast_in_dim3A_5 : memref<4096xi32, #tpu.memory_space<vmem>>[vector<16xi32>], vector<16xi32>,
    %get3A_44 = arith.constant 0 : i32
    %get3A_45 = arith.index_cast %get3A_44 : i32 to index
    %get3A_46 = arith.constant 80 : index
    %get3A_47 = tpu.vector_load %arg4[%get3A_45, %get3A_46] {strides = array<i32>} : memref<4x128xi32, #tpu.memory_space<vmem>>, vector<16xi32>,
    %add3A_48 = arith.constant 512 : i32
    %add3A_49 = vector.broadcast %add3A_48 : i32 to vector<16xi32>
    %add3A_50 = arith.addi %get3A_47, %add3A_49 : vector<16xi32>
    tpu.vector_store_idx %arg5[%add3A_50], %broadcast_in_dim3A_5 : memref<4096xi32, #tpu.memory_space<vmem>>[vector<16xi32>], vector<16xi32>,
    %get3A_51 = arith.constant 0 : i32
    %get3A_52 = arith.index_cast %get3A_51 : i32 to index
    %get3A_53 = arith.constant 96 : index
    %get3A_54 = tpu.vector_load %arg4[%get3A_52, %get3A_53] {strides = array<i32>} : memref<4x128xi32, #tpu.memory_space<vmem>>, vector<16xi32>,
    %add3A_55 = arith.constant 512 : i32
    %add3A_56 = vector.broadcast %add3A_55 : i32 to vector<16xi32>
    %add3A_57 = arith.addi %get3A_54, %add3A_56 : vector<16xi32>
    tpu.vector_store_idx %arg5[%add3A_57], %broadcast_in_dim3A_5 : memref<4096xi32, #tpu.memory_space<vmem>>[vector<16xi32>], vector<16xi32>,
    %get3A_58 = arith.constant 0 : i32
    %get3A_59 = arith.index_cast %get3A_58 : i32 to index
    %get3A_60 = arith.constant 112 : index
    %get3A_61 = tpu.vector_load %arg4[%get3A_59, %get3A_60] {strides = array<i32>} : memref<4x128xi32, #tpu.memory_space<vmem>>, vector<16xi32>,
    %add3A_62 = arith.constant 512 : i32
    %add3A_63 = vector.broadcast %add3A_62 : i32 to vector<16xi32>
    %add3A_64 = arith.addi %get3A_61, %add3A_63 : vector<16xi32>
    tpu.vector_store_idx %arg5[%add3A_64], %broadcast_in_dim3A_5 : memref<4096xi32, #tpu.memory_space<vmem>>[vector<16xi32>], vector<16xi32>,
    %get3A_65 = arith.constant 1 : i32
    %get3A_66 = arith.index_cast %get3A_65 : i32 to index
    %get3A_67 = arith.constant 0 : index
    %get3A_68 = tpu.vector_load %arg4[%get3A_66, %get3A_67] {strides = array<i32>} : memref<4x128xi32, #tpu.memory_space<vmem>>, vector<16xi32>,
    %add3A_69 = arith.constant 1024 : i32
    %add3A_70 = vector.broadcast %add3A_69 : i32 to vector<16xi32>
    %add3A_71 = arith.addi %get3A_68, %add3A_70 : vector<16xi32>
    tpu.vector_store_idx %arg5[%add3A_71], %broadcast_in_dim3A_5 : memref<4096xi32, #tpu.memory_space<vmem>>[vector<16xi32>], vector<16xi32>,
    %get3A_72 = arith.constant 1 : i32
    %get3A_73 = arith.index_cast %get3A_72 : i32 to index
    %get3A_74 = arith.constant 16 : index
    %get3A_75 = tpu.vector_load %arg4[%get3A_73, %get3A_74] {strides = array<i32>} : memref<4x128xi32, #tpu.memory_space<vmem>>, vector<16xi32>,
    %add3A_76 = arith.constant 1024 : i32
    %add3A_77 = vector.broadcast %add3A_76 : i32 to vector<16xi32>
    %add3A_78 = arith.addi %get3A_75, %add3A_77 : vector<16xi32>
    tpu.vector_store_idx %arg5[%add3A_78], %broadcast_in_dim3A_5 : memref<4096xi32, #tpu.memory_space<vmem>>[vector<16xi32>], vector<16xi32>,
    %get3A_79 = arith.constant 1 : i32
    %get3A_80 = arith.index_cast %get3A_79 : i32 to index
    %get3A_81 = arith.constant 32 : index
    %get3A_82 = tpu.vector_load %arg4[%get3A_80, %get3A_81] {strides = array<i32>} : memref<4x128xi32, #tpu.memory_space<vmem>>, vector<16xi32>,
    %add3A_83 = arith.constant 1024 : i32
    %add3A_84 = vector.broadcast %add3A_83 : i32 to vector<16xi32>
    %add3A_85 = arith.addi %get3A_82, %add3A_84 : vector<16xi32>
    tpu.vector_store_idx %arg5[%add3A_85], %broadcast_in_dim3A_5 : memref<4096xi32, #tpu.memory_space<vmem>>[vector<16xi32>], vector<16xi32>,
    %get3A_86 = arith.constant 1 : i32
    %get3A_87 = arith.index_cast %get3A_86 : i32 to index
    %get3A_88 = arith.constant 48 : index
    %get3A_89 = tpu.vector_load %arg4[%get3A_87, %get3A_88] {strides = array<i32>} : memref<4x128xi32, #tpu.memory_space<vmem>>, vector<16xi32>,
    %add3A_90 = arith.constant 1024 : i32
    %add3A_91 = vector.broadcast %add3A_90 : i32 to vector<16xi32>
    %add3A_92 = arith.addi %get3A_89, %add3A_91 : vector<16xi32>
    tpu.vector_store_idx %arg5[%add3A_92], %broadcast_in_dim3A_5 : memref<4096xi32, #tpu.memory_space<vmem>>[vector<16xi32>], vector<16xi32>,
    %get3A_93 = arith.constant 1 : i32
    %get3A_94 = arith.index_cast %get3A_93 : i32 to index
    %get3A_95 = arith.constant 64 : index
    %get3A_96 = tpu.vector_load %arg4[%get3A_94, %get3A_95] {strides = array<i32>} : memref<4x128xi32, #tpu.memory_space<vmem>>, vector<16xi32>,
    %add3A_97 = arith.constant 1536 : i32
    %add3A_98 = vector.broadcast %add3A_97 : i32 to vector<16xi32>
    %add3A_99 = arith.addi %get3A_96, %add3A_98 : vector<16xi32>
    tpu.vector_store_idx %arg5[%add3A_99], %broadcast_in_dim3A_5 : memref<4096xi32, #tpu.memory_space<vmem>>[vector<16xi32>], vector<16xi32>,
    %get3A_100 = arith.constant 1 : i32
    %get3A_101 = arith.index_cast %get3A_100 : i32 to index
    %get3A_102 = arith.constant 80 : index
    %get3A_103 = tpu.vector_load %arg4[%get3A_101, %get3A_102] {strides = array<i32>} : memref<4x128xi32, #tpu.memory_space<vmem>>, vector<16xi32>,
    %add3A_104 = arith.constant 1536 : i32
    %add3A_105 = vector.broadcast %add3A_104 : i32 to vector<16xi32>
    %add3A_106 = arith.addi %get3A_103, %add3A_105 : vector<16xi32>
    tpu.vector_store_idx %arg5[%add3A_106], %broadcast_in_dim3A_5 : memref<4096xi32, #tpu.memory_space<vmem>>[vector<16xi32>], vector<16xi32>,
    %get3A_107 = arith.constant 1 : i32
    %get3A_108 = arith.index_cast %get3A_107 : i32 to index
    %get3A_109 = arith.constant 96 : index
    %get3A_110 = tpu.vector_load %arg4[%get3A_108, %get3A_109] {strides = array<i32>} : memref<4x128xi32, #tpu.memory_space<vmem>>, vector<16xi32>,
    %add3A_111 = arith.constant 1536 : i32
    %add3A_112 = vector.broadcast %add3A_111 : i32 to vector<16xi32>
    %add3A_113 = arith.addi %get3A_110, %add3A_112 : vector<16xi32>
    tpu.vector_store_idx %arg5[%add3A_113], %broadcast_in_dim3A_5 : memref<4096xi32, #tpu.memory_space<vmem>>[vector<16xi32>], vector<16xi32>,
    %get3A_114 = arith.constant 1 : i32
    %get3A_115 = arith.index_cast %get3A_114 : i32 to index
    %get3A_116 = arith.constant 112 : index
    %get3A_117 = tpu.vector_load %arg4[%get3A_115, %get3A_116] {strides = array<i32>} : memref<4x128xi32, #tpu.memory_space<vmem>>, vector<16xi32>,
    %add3A_118 = arith.constant 1536 : i32
    %add3A_119 = vector.broadcast %add3A_118 : i32 to vector<16xi32>
    %add3A_120 = arith.addi %get3A_117, %add3A_119 : vector<16xi32>
    tpu.vector_store_idx %arg5[%add3A_120], %broadcast_in_dim3A_5 : memref<4096xi32, #tpu.memory_space<vmem>>[vector<16xi32>], vector<16xi32>,
    %get3A_121 = arith.constant 2 : i32
    %get3A_122 = arith.index_cast %get3A_121 : i32 to index
    %get3A_123 = arith.constant 0 : index
    %get3A_124 = tpu.vector_load %arg4[%get3A_122, %get3A_123] {strides = array<i32>} : memref<4x128xi32, #tpu.memory_space<vmem>>, vector<16xi32>,
    %add3A_125 = arith.constant 2048 : i32
    %add3A_126 = vector.broadcast %add3A_125 : i32 to vector<16xi32>
    %add3A_127 = arith.addi %get3A_124, %add3A_126 : vector<16xi32>
    tpu.vector_store_idx %arg5[%add3A_127], %broadcast_in_dim3A_5 : memref<4096xi32, #tpu.memory_space<vmem>>[vector<16xi32>], vector<16xi32>,
    %get3A_128 = arith.constant 2 : i32
    %get3A_129 = arith.index_cast %get3A_128 : i32 to index
    %get3A_130 = arith.constant 16 : index
    %get3A_131 = tpu.vector_load %arg4[%get3A_129, %get3A_130] {strides = array<i32>} : memref<4x128xi32, #tpu.memory_space<vmem>>, vector<16xi32>,
    %add3A_132 = arith.constant 2048 : i32
    %add3A_133 = vector.broadcast %add3A_132 : i32 to vector<16xi32>
    %add3A_134 = arith.addi %get3A_131, %add3A_133 : vector<16xi32>
    tpu.vector_store_idx %arg5[%add3A_134], %broadcast_in_dim3A_5 : memref<4096xi32, #tpu.memory_space<vmem>>[vector<16xi32>], vector<16xi32>,
    %get3A_135 = arith.constant 2 : i32
    %get3A_136 = arith.index_cast %get3A_135 : i32 to index
    %get3A_137 = arith.constant 32 : index
    %get3A_138 = tpu.vector_load %arg4[%get3A_136, %get3A_137] {strides = array<i32>} : memref<4x128xi32, #tpu.memory_space<vmem>>, vector<16xi32>,
    %add3A_139 = arith.constant 2048 : i32
    %add3A_140 = vector.broadcast %add3A_139 : i32 to vector<16xi32>
    %add3A_141 = arith.addi %get3A_138, %add3A_140 : vector<16xi32>
    tpu.vector_store_idx %arg5[%add3A_141], %broadcast_in_dim3A_5 : memref<4096xi32, #tpu.memory_space<vmem>>[vector<16xi32>], vector<16xi32>,
    %get3A_142 = arith.constant 2 : i32
    %get3A_143 = arith.index_cast %get3A_142 : i32 to index
    %get3A_144 = arith.constant 48 : index
    %get3A_145 = tpu.vector_load %arg4[%get3A_143, %get3A_144] {strides = array<i32>} : memref<4x128xi32, #tpu.memory_space<vmem>>, vector<16xi32>,
    %add3A_146 = arith.constant 2048 : i32
    %add3A_147 = vector.broadcast %add3A_146 : i32 to vector<16xi32>
    %add3A_148 = arith.addi %get3A_145, %add3A_147 : vector<16xi32>
    tpu.vector_store_idx %arg5[%add3A_148], %broadcast_in_dim3A_5 : memref<4096xi32, #tpu.memory_space<vmem>>[vector<16xi32>], vector<16xi32>,
    %get3A_149 = arith.constant 2 : i32
    %get3A_150 = arith.index_cast %get3A_149 : i32 to index
    %get3A_151 = arith.constant 64 : index
    %get3A_152 = tpu.vector_load %arg4[%get3A_150, %get3A_151] {strides = array<i32>} : memref<4x128xi32, #tpu.memory_space<vmem>>, vector<16xi32>,
    %add3A_153 = arith.constant 2560 : i32
    %add3A_154 = vector.broadcast %add3A_153 : i32 to vector<16xi32>
    %add3A_155 = arith.addi %get3A_152, %add3A_154 : vector<16xi32>
    tpu.vector_store_idx %arg5[%add3A_155], %broadcast_in_dim3A_5 : memref<4096xi32, #tpu.memory_space<vmem>>[vector<16xi32>], vector<16xi32>,
    %get3A_156 = arith.constant 2 : i32
    %get3A_157 = arith.index_cast %get3A_156 : i32 to index
    %get3A_158 = arith.constant 80 : index
    %get3A_159 = tpu.vector_load %arg4[%get3A_157, %get3A_158] {strides = array<i32>} : memref<4x128xi32, #tpu.memory_space<vmem>>, vector<16xi32>,
    %add3A_160 = arith.constant 2560 : i32
    %add3A_161 = vector.broadcast %add3A_160 : i32 to vector<16xi32>
    %add3A_162 = arith.addi %get3A_159, %add3A_161 : vector<16xi32>
    tpu.vector_store_idx %arg5[%add3A_162], %broadcast_in_dim3A_5 : memref<4096xi32, #tpu.memory_space<vmem>>[vector<16xi32>], vector<16xi32>,
    %get3A_163 = arith.constant 2 : i32
    %get3A_164 = arith.index_cast %get3A_163 : i32 to index
    %get3A_165 = arith.constant 96 : index
    %get3A_166 = tpu.vector_load %arg4[%get3A_164, %get3A_165] {strides = array<i32>} : memref<4x128xi32, #tpu.memory_space<vmem>>, vector<16xi32>,
    %add3A_167 = arith.constant 2560 : i32
    %add3A_168 = vector.broadcast %add3A_167 : i32 to vector<16xi32>
    %add3A_169 = arith.addi %get3A_166, %add3A_168 : vector<16xi32>
    tpu.vector_store_idx %arg5[%add3A_169], %broadcast_in_dim3A_5 : memref<4096xi32, #tpu.memory_space<vmem>>[vector<16xi32>], vector<16xi32>,
    %get3A_170 = arith.constant 2 : i32
    %get3A_171 = arith.index_cast %get3A_170 : i32 to index
    %get3A_172 = arith.constant 112 : index
    %get3A_173 = tpu.vector_load %arg4[%get3A_171, %get3A_172] {strides = array<i32>} : memref<4x128xi32, #tpu.memory_space<vmem>>, vector<16xi32>,
    %add3A_174 = arith.constant 2560 : i32
    %add3A_175 = vector.broadcast %add3A_174 : i32 to vector<16xi32>
    %add3A_176 = arith.addi %get3A_173, %add3A_175 : vector<16xi32>
    tpu.vector_store_idx %arg5[%add3A_176], %broadcast_in_dim3A_5 : memref<4096xi32, #tpu.memory_space<vmem>>[vector<16xi32>], vector<16xi32>,
    %get3A_177 = arith.constant 3 : i32
    %get3A_178 = arith.index_cast %get3A_177 : i32 to index
    %get3A_179 = arith.constant 0 : index
    %get3A_180 = tpu.vector_load %arg4[%get3A_178, %get3A_179] {strides = array<i32>} : memref<4x128xi32, #tpu.memory_space<vmem>>, vector<16xi32>,
    %add3A_181 = arith.constant 3072 : i32
    %add3A_182 = vector.broadcast %add3A_181 : i32 to vector<16xi32>
    %add3A_183 = arith.addi %get3A_180, %add3A_182 : vector<16xi32>
    tpu.vector_store_idx %arg5[%add3A_183], %broadcast_in_dim3A_5 : memref<4096xi32, #tpu.memory_space<vmem>>[vector<16xi32>], vector<16xi32>,
    %get3A_184 = arith.constant 3 : i32
    %get3A_185 = arith.index_cast %get3A_184 : i32 to index
    %get3A_186 = arith.constant 16 : index
    %get3A_187 = tpu.vector_load %arg4[%get3A_185, %get3A_186] {strides = array<i32>} : memref<4x128xi32, #tpu.memory_space<vmem>>, vector<16xi32>,
    %add3A_188 = arith.constant 3072 : i32
    %add3A_189 = vector.broadcast %add3A_188 : i32 to vector<16xi32>
    %add3A_190 = arith.addi %get3A_187, %add3A_189 : vector<16xi32>
    tpu.vector_store_idx %arg5[%add3A_190], %broadcast_in_dim3A_5 : memref<4096xi32, #tpu.memory_space<vmem>>[vector<16xi32>], vector<16xi32>,
    %get3A_191 = arith.constant 3 : i32
    %get3A_192 = arith.index_cast %get3A_191 : i32 to index
    %get3A_193 = arith.constant 32 : index
    %get3A_194 = tpu.vector_load %arg4[%get3A_192, %get3A_193] {strides = array<i32>} : memref<4x128xi32, #tpu.memory_space<vmem>>, vector<16xi32>,
    %add3A_195 = arith.constant 3072 : i32
    %add3A_196 = vector.broadcast %add3A_195 : i32 to vector<16xi32>
    %add3A_197 = arith.addi %get3A_194, %add3A_196 : vector<16xi32>
    tpu.vector_store_idx %arg5[%add3A_197], %broadcast_in_dim3A_5 : memref<4096xi32, #tpu.memory_space<vmem>>[vector<16xi32>], vector<16xi32>,
    %get3A_198 = arith.constant 3 : i32
    %get3A_199 = arith.index_cast %get3A_198 : i32 to index
    %get3A_200 = arith.constant 48 : index
    %get3A_201 = tpu.vector_load %arg4[%get3A_199, %get3A_200] {strides = array<i32>} : memref<4x128xi32, #tpu.memory_space<vmem>>, vector<16xi32>,
    %add3A_202 = arith.constant 3072 : i32
    %add3A_203 = vector.broadcast %add3A_202 : i32 to vector<16xi32>
    %add3A_204 = arith.addi %get3A_201, %add3A_203 : vector<16xi32>
    tpu.vector_store_idx %arg5[%add3A_204], %broadcast_in_dim3A_5 : memref<4096xi32, #tpu.memory_space<vmem>>[vector<16xi32>], vector<16xi32>,
    %get3A_205 = arith.constant 3 : i32
    %get3A_206 = arith.index_cast %get3A_205 : i32 to index
    %get3A_207 = arith.constant 64 : index
    %get3A_208 = tpu.vector_load %arg4[%get3A_206, %get3A_207] {strides = array<i32>} : memref<4x128xi32, #tpu.memory_space<vmem>>, vector<16xi32>,
    %add3A_209 = arith.constant 3584 : i32
    %add3A_210 = vector.broadcast %add3A_209 : i32 to vector<16xi32>
    %add3A_211 = arith.addi %get3A_208, %add3A_210 : vector<16xi32>
    tpu.vector_store_idx %arg5[%add3A_211], %broadcast_in_dim3A_5 : memref<4096xi32, #tpu.memory_space<vmem>>[vector<16xi32>], vector<16xi32>,
    %get3A_212 = arith.constant 3 : i32
    %get3A_213 = arith.index_cast %get3A_212 : i32 to index
    %get3A_214 = arith.constant 80 : index
    %get3A_215 = tpu.vector_load %arg4[%get3A_213, %get3A_214] {strides = array<i32>} : memref<4x128xi32, #tpu.memory_space<vmem>>, vector<16xi32>,
    %add3A_216 = arith.constant 3584 : i32
    %add3A_217 = vector.broadcast %add3A_216 : i32 to vector<16xi32>
    %add3A_218 = arith.addi %get3A_215, %add3A_217 : vector<16xi32>
    tpu.vector_store_idx %arg5[%add3A_218], %broadcast_in_dim3A_5 : memref<4096xi32, #tpu.memory_space<vmem>>[vector<16xi32>], vector<16xi32>,
    %get3A_219 = arith.constant 3 : i32
    %get3A_220 = arith.index_cast %get3A_219 : i32 to index
    %get3A_221 = arith.constant 96 : index
    %get3A_222 = tpu.vector_load %arg4[%get3A_220, %get3A_221] {strides = array<i32>} : memref<4x128xi32, #tpu.memory_space<vmem>>, vector<16xi32>,
    %add3A_223 = arith.constant 3584 : i32
    %add3A_224 = vector.broadcast %add3A_223 : i32 to vector<16xi32>
    %add3A_225 = arith.addi %get3A_222, %add3A_224 : vector<16xi32>
    tpu.vector_store_idx %arg5[%add3A_225], %broadcast_in_dim3A_5 : memref<4096xi32, #tpu.memory_space<vmem>>[vector<16xi32>], vector<16xi32>,
    %get3A_226 = arith.constant 3 : i32
    %get3A_227 = arith.index_cast %get3A_226 : i32 to index
    %get3A_228 = arith.constant 112 : index
    %get3A_229 = tpu.vector_load %arg4[%get3A_227, %get3A_228] {strides = array<i32>} : memref<4x128xi32, #tpu.memory_space<vmem>>, vector<16xi32>,
    %add3A_230 = arith.constant 3584 : i32
    %add3A_231 = vector.broadcast %add3A_230 : i32 to vector<16xi32>
    %add3A_232 = arith.addi %get3A_229, %add3A_231 : vector<16xi32>
    tpu.vector_store_idx %arg5[%add3A_232], %broadcast_in_dim3A_5 : memref<4096xi32, #tpu.memory_space<vmem>>[vector<16xi32>], vector<16xi32>,
    %scan3A_233 = arith.constant 0 : i32
    %scan3A_234 = arith.constant 256 : i32
    %scan3A_235 = arith.addi %scan3A_233, %scan3A_234 : i32
    %scan3A_236 = arith.constant 1 : i32
    %scan3A_237 = scf.for %scan3A_240 = %scan3A_233 to %scan3A_235 step %scan3A_236 iter_args(%scan3A_241 = %broadcast_in_dim3A_3) -> (vector<16xi32>)  : i32 {
      %mul3A_242 = arith.constant 16 : i32
      %mul3A_243 = arith.muli %scan3A_240, %mul3A_242 : i32
      %multiple_of3A = tpu.assume_multiple %mul3A_243, 16 : i32
      %get3A_244 = arith.index_cast %multiple_of3A : i32 to index
      %get3A_245 = tpu.vector_load %arg5[%get3A_244] {strides = array<i32>} : memref<4096xi32, #tpu.memory_space<vmem>>, vector<16xi32>,
      %add3A_246 = arith.addi %scan3A_241, %get3A_245 : vector<16xi32>
      scf.yield %add3A_246 : vector<16xi32>
    }
    %scan3A_238 = arith.constant 256 : i32
    %swap3A = arith.constant 0 : index
    %swap3A_239 = tpu.vector_load %arg6[%swap3A] {strides = array<i32>} : memref<16xi32, #tpu.memory_space<vmem>>, vector<16xi32>,
    tpu.vector_store %arg6[%swap3A], %scan3A_237 {strides = array<i32>} : memref<16xi32, #tpu.memory_space<vmem>>, vector<16xi32>,
    "tpu.region"() ({
      %run_scoped3A = tpu.sem_alloc : memref<!tpu.dma_semaphore, #tpu.memory_space<semaphore_mem>>
      %dma_start3A = arith.constant 0 : i32
      %dma_start3A_240 = tpu.memref_slice %arg3[%add3A, %dma_start3A] : memref<32x16xi32, #tpu.memory_space<hbm>> -> memref<1x16xi32, #tpu.memory_space<hbm>>
      %dma_start3A_241 = tpu.memref_squeeze %dma_start3A_240 : memref<1x16xi32, #tpu.memory_space<hbm>> -> memref<16xi32, #tpu.memory_space<hbm>>
      %dma_start3A_242 = arith.constant 0 : i32
      %dma_start3A_243 = tpu.memref_slice %arg3[%add3A, %dma_start3A_242] : memref<32x16xi32, #tpu.memory_space<hbm>> -> memref<1x16xi32, #tpu.memory_space<hbm>>
      %dma_start3A_244 = tpu.memref_squeeze %dma_start3A_243 : memref<1x16xi32, #tpu.memory_space<hbm>> -> memref<16xi32, #tpu.memory_space<hbm>>
      tpu.enqueue_dma source(%arg6 : memref<16xi32, #tpu.memory_space<vmem>>) target(%dma_start3A_244 : memref<16xi32, #tpu.memory_space<hbm>>) target_semaphore(%run_scoped3A : memref<!tpu.dma_semaphore, #tpu.memory_space<semaphore_mem>>)
      %dma_wait3A = arith.constant 0 : i32
      %dma_wait3A_245 = tpu.memref_slice %arg3[%add3A, %dma_wait3A] : memref<32x16xi32, #tpu.memory_space<hbm>> -> memref<1x16xi32, #tpu.memory_space<hbm>>
      %dma_wait3A_246 = tpu.memref_squeeze %dma_wait3A_245 : memref<1x16xi32, #tpu.memory_space<hbm>> -> memref<16xi32, #tpu.memory_space<hbm>>
      %dma_wait3A_247 = arith.constant 0 : i32
      %dma_wait3A_248 = tpu.memref_slice %arg3[%add3A, %dma_wait3A_247] : memref<32x16xi32, #tpu.memory_space<hbm>> -> memref<1x16xi32, #tpu.memory_space<hbm>>
      %dma_wait3A_249 = tpu.memref_squeeze %dma_wait3A_248 : memref<1x16xi32, #tpu.memory_space<hbm>> -> memref<16xi32, #tpu.memory_space<hbm>>
      tpu.wait_dma2 semaphore(%run_scoped3A : memref<!tpu.dma_semaphore, #tpu.memory_space<semaphore_mem>>) src(%arg6 : memref<16xi32, #tpu.memory_space<vmem>>) dst(%dma_wait3A_249 : memref<16xi32, #tpu.memory_space<hbm>>)
      tpu.yield
    }) : () -> ()
    return
  }
}

module attributes {stable_mosaic.version = 14 : i64} {
  func.func @_vq_body(%arg0: i32, %arg1: memref<8x64x64xf32, #tpu.memory_space<vmem>>, %arg2: memref<8x64x512xf32, #tpu.memory_space<vmem>>, %arg3: memref<8x64x64xf32, #tpu.memory_space<vmem>>, %arg4: memref<8x64xi32, #tpu.memory_space<vmem>>, %arg5: memref<1x1xf32, #tpu.memory_space<smem>>) attributes {dimension_semantics = [#tpu.dimension_semantics<arbitrary>], iteration_bounds = array<i64: 32>, scalar_prefetch = 0 : i64, scratch_operands = 0 : i64, tpu.core_type = #tpu.core_type<tc>, window_params = [{transform_indices = @transform_0, window_bounds = array<i64: 8, 64, 64>}, {transform_indices = @transform_1, window_bounds = array<i64: 8, 64, 512>}, {transform_indices = @transform_2, window_bounds = array<i64: 8, 64, 64>}, {transform_indices = @transform_3, window_bounds = array<i64: 8, 64>}, {transform_indices = @transform_4, window_bounds = array<i64: 1, 1>}]} {
    %eq3A = arith.constant 0 : i32
    %eq3A_0 = arith.cmpi eq, %arg0, %eq3A : i32
    %convert_element_type3A = arith.extui %eq3A_0 : i1 to i32
    %cond3A = arith.constant 0 : i32
    %cond3A_1 = arith.cmpi ne, %convert_element_type3A, %cond3A : i32
    scf.if %cond3A_1 {
      %swap3A_1116 = arith.constant 0.000000e+00 : f32
      %swap3A_1117 = arith.constant 0 : index
      %swap3A_1118 = arith.constant 0 : index
      %swap3A_1119 = memref.load %arg5[%swap3A_1117, %swap3A_1118] : memref<1x1xf32, #tpu.memory_space<smem>>
      memref.store %swap3A_1116, %arg5[%swap3A_1117, %swap3A_1118] : memref<1x1xf32, #tpu.memory_space<smem>>
    } else {
    }
    %iota3A = tpu.iota {dimensions = array<i32: 1>} : vector<64x128xi32>
    %broadcast_in_dim3A = arith.constant 0.000000e+00 : f32
    %broadcast_in_dim3A_2 = vector.broadcast %broadcast_in_dim3A : f32 to vector<64x1xf32>
    %get3A = arith.constant 0 : index
    %get3A_3 = arith.constant 0 : index
    %get3A_4 = arith.constant 0 : index
    %get3A_5 = vector.load %arg1[%get3A, %get3A_3, %get3A_4] : memref<8x64x64xf32, #tpu.memory_space<vmem>>, vector<1x64x64xf32>
    %get3A_6 = vector.shape_cast %get3A_5 : vector<1x64x64xf32> to vector<64x64xf32>
    %mul3A = arith.mulf %get3A_6, %get3A_6 : vector<64x64xf32>
    %reduce_sum3A = arith.constant dense<0.000000e+00> : vector<64xf32>
    %reduce_sum3A_7 = vector.multi_reduction <add>, %mul3A, %reduce_sum3A [1] : vector<64x64xf32> to vector<64xf32>
    %broadcast_in_dim3A_8 = vector.shape_cast %reduce_sum3A_7 : vector<64xf32> to vector<64x1xf32>
    %get3A_9 = arith.constant 0 : index
    %get3A_10 = arith.constant 0 : index
    %get3A_11 = arith.constant 0 : index
    %get3A_12 = vector.load %arg2[%get3A_9, %get3A_10, %get3A_11] : memref<8x64x512xf32, #tpu.memory_space<vmem>>, vector<1x64x128xf32>
    %get3A_13 = vector.shape_cast %get3A_12 : vector<1x64x128xf32> to vector<64x128xf32>
    %dot_general3A = arith.constant dense<0.000000e+00> : vector<64x128xf32>
    %dot_general3A_14 = tpu.matmul %get3A_6, %get3A_13, %dot_general3A {dimension_numbers = #tpu.dot_dimension_numbers<[1], [0], [0], [1], [0, 0, 1, 1], [], []>, transpose_lhs_hint = false} : vector<64x64xf32>, vector<64x128xf32>, vector<64x128xf32> -> vector<64x128xf32>
    %mul3A_15 = arith.mulf %get3A_13, %get3A_13 : vector<64x128xf32>
    %reduce_sum3A_16 = arith.constant dense<0.000000e+00> : vector<128xf32>
    %reduce_sum3A_17 = vector.multi_reduction <add>, %mul3A_15, %reduce_sum3A_16 [0] : vector<64x128xf32> to vector<128xf32>
    %broadcast_in_dim3A_18 = vector.shape_cast %reduce_sum3A_17 : vector<128xf32> to vector<1x128xf32>
    %mul3A_19 = arith.constant 2.000000e+00 : f32
    %mul3A_20 = vector.broadcast %mul3A_19 : f32 to vector<64x128xf32>
    %mul3A_21 = arith.mulf %mul3A_20, %dot_general3A_14 : vector<64x128xf32>
    %sub3A = vector.broadcast %broadcast_in_dim3A_8 : vector<64x1xf32> to vector<64x128xf32>
    %sub3A_22 = arith.subf %sub3A, %mul3A_21 : vector<64x128xf32>
    %add3A = vector.broadcast %broadcast_in_dim3A_18 : vector<1x128xf32> to vector<64x128xf32>
    %add3A_23 = arith.addf %sub3A_22, %add3A : vector<64x128xf32>
    %add3A_24 = arith.constant 0 : i32
    %add3A_25 = vector.broadcast %add3A_24 : i32 to vector<64x128xi32>
    %add3A_26 = arith.addi %iota3A, %add3A_25 : vector<64x128xi32>
    %get3A_27 = arith.constant 0 : index
    %get3A_28 = arith.constant 0 : index
    %get3A_29 = arith.constant 128 : index
    %get3A_30 = vector.load %arg2[%get3A_27, %get3A_28, %get3A_29] : memref<8x64x512xf32, #tpu.memory_space<vmem>>, vector<1x64x128xf32>
    %get3A_31 = vector.shape_cast %get3A_30 : vector<1x64x128xf32> to vector<64x128xf32>
    %dot_general3A_32 = arith.constant dense<0.000000e+00> : vector<64x128xf32>
    %dot_general3A_33 = tpu.matmul %get3A_6, %get3A_31, %dot_general3A_32 {dimension_numbers = #tpu.dot_dimension_numbers<[1], [0], [0], [1], [0, 0, 1, 1], [], []>, transpose_lhs_hint = false} : vector<64x64xf32>, vector<64x128xf32>, vector<64x128xf32> -> vector<64x128xf32>
    %mul3A_34 = arith.mulf %get3A_31, %get3A_31 : vector<64x128xf32>
    %reduce_sum3A_35 = arith.constant dense<0.000000e+00> : vector<128xf32>
    %reduce_sum3A_36 = vector.multi_reduction <add>, %mul3A_34, %reduce_sum3A_35 [0] : vector<64x128xf32> to vector<128xf32>
    %broadcast_in_dim3A_37 = vector.shape_cast %reduce_sum3A_36 : vector<128xf32> to vector<1x128xf32>
    %mul3A_38 = arith.constant 2.000000e+00 : f32
    %mul3A_39 = vector.broadcast %mul3A_38 : f32 to vector<64x128xf32>
    %mul3A_40 = arith.mulf %mul3A_39, %dot_general3A_33 : vector<64x128xf32>
    %sub3A_41 = vector.broadcast %broadcast_in_dim3A_8 : vector<64x1xf32> to vector<64x128xf32>
    %sub3A_42 = arith.subf %sub3A_41, %mul3A_40 : vector<64x128xf32>
    %add3A_43 = vector.broadcast %broadcast_in_dim3A_37 : vector<1x128xf32> to vector<64x128xf32>
    %add3A_44 = arith.addf %sub3A_42, %add3A_43 : vector<64x128xf32>
    %add3A_45 = arith.constant 128 : i32
    %add3A_46 = vector.broadcast %add3A_45 : i32 to vector<64x128xi32>
    %add3A_47 = arith.addi %iota3A, %add3A_46 : vector<64x128xi32>
    %lt3A = arith.cmpf olt, %add3A_44, %add3A_23 : vector<64x128xf32>
    %select_n3A = arith.select %lt3A, %add3A_44, %add3A_23 : vector<64x128xi1>, vector<64x128xf32>
    %select_n3A_48 = arith.select %lt3A, %add3A_47, %add3A_26 : vector<64x128xi1>, vector<64x128xi32>
    %get3A_49 = arith.constant 0 : index
    %get3A_50 = arith.constant 0 : index
    %get3A_51 = arith.constant 256 : index
    %get3A_52 = vector.load %arg2[%get3A_49, %get3A_50, %get3A_51] : memref<8x64x512xf32, #tpu.memory_space<vmem>>, vector<1x64x128xf32>
    %get3A_53 = vector.shape_cast %get3A_52 : vector<1x64x128xf32> to vector<64x128xf32>
    %dot_general3A_54 = arith.constant dense<0.000000e+00> : vector<64x128xf32>
    %dot_general3A_55 = tpu.matmul %get3A_6, %get3A_53, %dot_general3A_54 {dimension_numbers = #tpu.dot_dimension_numbers<[1], [0], [0], [1], [0, 0, 1, 1], [], []>, transpose_lhs_hint = false} : vector<64x64xf32>, vector<64x128xf32>, vector<64x128xf32> -> vector<64x128xf32>
    %mul3A_56 = arith.mulf %get3A_53, %get3A_53 : vector<64x128xf32>
    %reduce_sum3A_57 = arith.constant dense<0.000000e+00> : vector<128xf32>
    %reduce_sum3A_58 = vector.multi_reduction <add>, %mul3A_56, %reduce_sum3A_57 [0] : vector<64x128xf32> to vector<128xf32>
    %broadcast_in_dim3A_59 = vector.shape_cast %reduce_sum3A_58 : vector<128xf32> to vector<1x128xf32>
    %mul3A_60 = arith.constant 2.000000e+00 : f32
    %mul3A_61 = vector.broadcast %mul3A_60 : f32 to vector<64x128xf32>
    %mul3A_62 = arith.mulf %mul3A_61, %dot_general3A_55 : vector<64x128xf32>
    %sub3A_63 = vector.broadcast %broadcast_in_dim3A_8 : vector<64x1xf32> to vector<64x128xf32>
    %sub3A_64 = arith.subf %sub3A_63, %mul3A_62 : vector<64x128xf32>
    %add3A_65 = vector.broadcast %broadcast_in_dim3A_59 : vector<1x128xf32> to vector<64x128xf32>
    %add3A_66 = arith.addf %sub3A_64, %add3A_65 : vector<64x128xf32>
    %add3A_67 = arith.constant 256 : i32
    %add3A_68 = vector.broadcast %add3A_67 : i32 to vector<64x128xi32>
    %add3A_69 = arith.addi %iota3A, %add3A_68 : vector<64x128xi32>
    %lt3A_70 = arith.cmpf olt, %add3A_66, %select_n3A : vector<64x128xf32>
    %select_n3A_71 = arith.select %lt3A_70, %add3A_66, %select_n3A : vector<64x128xi1>, vector<64x128xf32>
    %select_n3A_72 = arith.select %lt3A_70, %add3A_69, %select_n3A_48 : vector<64x128xi1>, vector<64x128xi32>
    %get3A_73 = arith.constant 0 : index
    %get3A_74 = arith.constant 0 : index
    %get3A_75 = arith.constant 384 : index
    %get3A_76 = vector.load %arg2[%get3A_73, %get3A_74, %get3A_75] : memref<8x64x512xf32, #tpu.memory_space<vmem>>, vector<1x64x128xf32>
    %get3A_77 = vector.shape_cast %get3A_76 : vector<1x64x128xf32> to vector<64x128xf32>
    %dot_general3A_78 = arith.constant dense<0.000000e+00> : vector<64x128xf32>
    %dot_general3A_79 = tpu.matmul %get3A_6, %get3A_77, %dot_general3A_78 {dimension_numbers = #tpu.dot_dimension_numbers<[1], [0], [0], [1], [0, 0, 1, 1], [], []>, transpose_lhs_hint = false} : vector<64x64xf32>, vector<64x128xf32>, vector<64x128xf32> -> vector<64x128xf32>
    %mul3A_80 = arith.mulf %get3A_77, %get3A_77 : vector<64x128xf32>
    %reduce_sum3A_81 = arith.constant dense<0.000000e+00> : vector<128xf32>
    %reduce_sum3A_82 = vector.multi_reduction <add>, %mul3A_80, %reduce_sum3A_81 [0] : vector<64x128xf32> to vector<128xf32>
    %broadcast_in_dim3A_83 = vector.shape_cast %reduce_sum3A_82 : vector<128xf32> to vector<1x128xf32>
    %mul3A_84 = arith.constant 2.000000e+00 : f32
    %mul3A_85 = vector.broadcast %mul3A_84 : f32 to vector<64x128xf32>
    %mul3A_86 = arith.mulf %mul3A_85, %dot_general3A_79 : vector<64x128xf32>
    %sub3A_87 = vector.broadcast %broadcast_in_dim3A_8 : vector<64x1xf32> to vector<64x128xf32>
    %sub3A_88 = arith.subf %sub3A_87, %mul3A_86 : vector<64x128xf32>
    %add3A_89 = vector.broadcast %broadcast_in_dim3A_83 : vector<1x128xf32> to vector<64x128xf32>
    %add3A_90 = arith.addf %sub3A_88, %add3A_89 : vector<64x128xf32>
    %add3A_91 = arith.constant 384 : i32
    %add3A_92 = vector.broadcast %add3A_91 : i32 to vector<64x128xi32>
    %add3A_93 = arith.addi %iota3A, %add3A_92 : vector<64x128xi32>
    %lt3A_94 = arith.cmpf olt, %add3A_90, %select_n3A_71 : vector<64x128xf32>
    %select_n3A_95 = arith.select %lt3A_94, %add3A_90, %select_n3A_71 : vector<64x128xi1>, vector<64x128xf32>
    %select_n3A_96 = arith.select %lt3A_94, %add3A_93, %select_n3A_72 : vector<64x128xi1>, vector<64x128xi32>
    %reduce_min3A = arith.constant dense<0x7F800000> : vector<64xf32>
    %reduce_min3A_97 = vector.multi_reduction <minimumf>, %select_n3A_95, %reduce_min3A [1] : vector<64x128xf32> to vector<64xf32>
    %broadcast_in_dim3A_98 = vector.shape_cast %reduce_min3A_97 : vector<64xf32> to vector<64x1xf32>
    %eq3A_99 = vector.broadcast %broadcast_in_dim3A_98 : vector<64x1xf32> to vector<64x128xf32>
    %eq3A_100 = arith.cmpf oeq, %select_n3A_95, %eq3A_99 : vector<64x128xf32>
    %jit3A = arith.constant 512 : i32
    %broadcast_in_dim3A_101 = vector.broadcast %jit3A : i32 to vector<64x128xi32>
    %select_n3A_102 = arith.select %eq3A_100, %select_n3A_96, %broadcast_in_dim3A_101 : vector<64x128xi1>, vector<64x128xi32>
    %reduce_min3A_103 = arith.constant dense<2147483647> : vector<64xi32>
    %reduce_min3A_104 = vector.multi_reduction <minsi>, %select_n3A_102, %reduce_min3A_103 [1] : vector<64x128xi32> to vector<64xi32>
    %swap3A = arith.constant 0 : index
    %swap3A_105 = arith.constant 0 : index
    %swap3A_106 = vector.load %arg4[%swap3A, %swap3A_105] : memref<8x64xi32, #tpu.memory_space<vmem>>, vector<1x64xi32>
    %swap3A_107 = vector.shape_cast %swap3A_106 : vector<1x64xi32> to vector<64xi32>
    %swap3A_108 = vector.shape_cast %reduce_min3A_104 : vector<64xi32> to vector<1x64xi32>
    tpu.vector_store %arg4[%swap3A, %swap3A_105], %swap3A_108 {strides = array<i32>} : memref<8x64xi32, #tpu.memory_space<vmem>>, vector<1x64xi32>,
    %add3A_109 = arith.addf %broadcast_in_dim3A_2, %broadcast_in_dim3A_98 : vector<64x1xf32>
    %iota3A_110 = tpu.iota {dimensions = array<i32: 1>} : vector<64x512xi32>
    %broadcast_in_dim3A_111 = vector.shape_cast %reduce_min3A_104 : vector<64xi32> to vector<64x1xi32>
    %eq3A_112 = vector.broadcast %broadcast_in_dim3A_111 : vector<64x1xi32> to vector<64x512xi32>
    %eq3A_113 = arith.cmpi eq, %iota3A_110, %eq3A_112 : vector<64x512xi32>
    %convert_element_type3A_114 = arith.extui %eq3A_113 : vector<64x512xi1> to vector<64x512xi32>
    %convert_element_type3A_115 = arith.sitofp %convert_element_type3A_114 : vector<64x512xi32> to vector<64x512xf32>
    %get3A_116 = arith.constant 0 : index
    %get3A_117 = arith.constant 0 : index
    %get3A_118 = arith.constant 0 : index
    %get3A_119 = vector.load %arg2[%get3A_116, %get3A_117, %get3A_118] : memref<8x64x512xf32, #tpu.memory_space<vmem>>, vector<1x64x512xf32>
    %get3A_120 = vector.shape_cast %get3A_119 : vector<1x64x512xf32> to vector<64x512xf32>
    %dot_general3A_121 = arith.constant dense<0.000000e+00> : vector<64x64xf32>
    %dot_general3A_122 = tpu.matmul %convert_element_type3A_115, %get3A_120, %dot_general3A_121 {dimension_numbers = #tpu.dot_dimension_numbers<[1], [1], [0], [0], [0, 0, 1, 0], [], []>, transpose_lhs_hint = false} : vector<64x512xf32>, vector<64x512xf32>, vector<64x64xf32> -> vector<64x64xf32>
    %sub3A_123 = arith.subf %dot_general3A_122, %get3A_6 : vector<64x64xf32>
    %add3A_124 = arith.addf %get3A_6, %sub3A_123 : vector<64x64xf32>
    %swap3A_125 = arith.constant 0 : index
    %swap3A_126 = arith.constant 0 : index
    %swap3A_127 = arith.constant 0 : index
    %swap3A_128 = vector.load %arg3[%swap3A_125, %swap3A_126, %swap3A_127] : memref<8x64x64xf32, #tpu.memory_space<vmem>>, vector<1x64x64xf32>
    %swap3A_129 = vector.shape_cast %swap3A_128 : vector<1x64x64xf32> to vector<64x64xf32>
    %swap3A_130 = vector.shape_cast %add3A_124 : vector<64x64xf32> to vector<1x64x64xf32>
    tpu.vector_store %arg3[%swap3A_125, %swap3A_126, %swap3A_127], %swap3A_130 {strides = array<i32>} : memref<8x64x64xf32, #tpu.memory_space<vmem>>, vector<1x64x64xf32>,
    %get3A_131 = arith.constant 1 : index
    %get3A_132 = arith.constant 0 : index
    %get3A_133 = arith.constant 0 : index
    %get3A_134 = vector.load %arg1[%get3A_131, %get3A_132, %get3A_133] : memref<8x64x64xf32, #tpu.memory_space<vmem>>, vector<1x64x64xf32>
    %get3A_135 = vector.shape_cast %get3A_134 : vector<1x64x64xf32> to vector<64x64xf32>
    %mul3A_136 = arith.mulf %get3A_135, %get3A_135 : vector<64x64xf32>
    %reduce_sum3A_137 = arith.constant dense<0.000000e+00> : vector<64xf32>
    %reduce_sum3A_138 = vector.multi_reduction <add>, %mul3A_136, %reduce_sum3A_137 [1] : vector<64x64xf32> to vector<64xf32>
    %broadcast_in_dim3A_139 = vector.shape_cast %reduce_sum3A_138 : vector<64xf32> to vector<64x1xf32>
    %get3A_140 = arith.constant 1 : index
    %get3A_141 = arith.constant 0 : index
    %get3A_142 = arith.constant 0 : index
    %get3A_143 = vector.load %arg2[%get3A_140, %get3A_141, %get3A_142] : memref<8x64x512xf32, #tpu.memory_space<vmem>>, vector<1x64x128xf32>
    %get3A_144 = vector.shape_cast %get3A_143 : vector<1x64x128xf32> to vector<64x128xf32>
    %dot_general3A_145 = arith.constant dense<0.000000e+00> : vector<64x128xf32>
    %dot_general3A_146 = tpu.matmul %get3A_135, %get3A_144, %dot_general3A_145 {dimension_numbers = #tpu.dot_dimension_numbers<[1], [0], [0], [1], [0, 0, 1, 1], [], []>, transpose_lhs_hint = false} : vector<64x64xf32>, vector<64x128xf32>, vector<64x128xf32> -> vector<64x128xf32>
    %mul3A_147 = arith.mulf %get3A_144, %get3A_144 : vector<64x128xf32>
    %reduce_sum3A_148 = arith.constant dense<0.000000e+00> : vector<128xf32>
    %reduce_sum3A_149 = vector.multi_reduction <add>, %mul3A_147, %reduce_sum3A_148 [0] : vector<64x128xf32> to vector<128xf32>
    %broadcast_in_dim3A_150 = vector.shape_cast %reduce_sum3A_149 : vector<128xf32> to vector<1x128xf32>
    %mul3A_151 = arith.constant 2.000000e+00 : f32
    %mul3A_152 = vector.broadcast %mul3A_151 : f32 to vector<64x128xf32>
    %mul3A_153 = arith.mulf %mul3A_152, %dot_general3A_146 : vector<64x128xf32>
    %sub3A_154 = vector.broadcast %broadcast_in_dim3A_139 : vector<64x1xf32> to vector<64x128xf32>
    %sub3A_155 = arith.subf %sub3A_154, %mul3A_153 : vector<64x128xf32>
    %add3A_156 = vector.broadcast %broadcast_in_dim3A_150 : vector<1x128xf32> to vector<64x128xf32>
    %add3A_157 = arith.addf %sub3A_155, %add3A_156 : vector<64x128xf32>
    %add3A_158 = arith.constant 0 : i32
    %add3A_159 = vector.broadcast %add3A_158 : i32 to vector<64x128xi32>
    %add3A_160 = arith.addi %iota3A, %add3A_159 : vector<64x128xi32>
    %get3A_161 = arith.constant 1 : index
    %get3A_162 = arith.constant 0 : index
    %get3A_163 = arith.constant 128 : index
    %get3A_164 = vector.load %arg2[%get3A_161, %get3A_162, %get3A_163] : memref<8x64x512xf32, #tpu.memory_space<vmem>>, vector<1x64x128xf32>
    %get3A_165 = vector.shape_cast %get3A_164 : vector<1x64x128xf32> to vector<64x128xf32>
    %dot_general3A_166 = arith.constant dense<0.000000e+00> : vector<64x128xf32>
    %dot_general3A_167 = tpu.matmul %get3A_135, %get3A_165, %dot_general3A_166 {dimension_numbers = #tpu.dot_dimension_numbers<[1], [0], [0], [1], [0, 0, 1, 1], [], []>, transpose_lhs_hint = false} : vector<64x64xf32>, vector<64x128xf32>, vector<64x128xf32> -> vector<64x128xf32>
    %mul3A_168 = arith.mulf %get3A_165, %get3A_165 : vector<64x128xf32>
    %reduce_sum3A_169 = arith.constant dense<0.000000e+00> : vector<128xf32>
    %reduce_sum3A_170 = vector.multi_reduction <add>, %mul3A_168, %reduce_sum3A_169 [0] : vector<64x128xf32> to vector<128xf32>
    %broadcast_in_dim3A_171 = vector.shape_cast %reduce_sum3A_170 : vector<128xf32> to vector<1x128xf32>
    %mul3A_172 = arith.constant 2.000000e+00 : f32
    %mul3A_173 = vector.broadcast %mul3A_172 : f32 to vector<64x128xf32>
    %mul3A_174 = arith.mulf %mul3A_173, %dot_general3A_167 : vector<64x128xf32>
    %sub3A_175 = vector.broadcast %broadcast_in_dim3A_139 : vector<64x1xf32> to vector<64x128xf32>
    %sub3A_176 = arith.subf %sub3A_175, %mul3A_174 : vector<64x128xf32>
    %add3A_177 = vector.broadcast %broadcast_in_dim3A_171 : vector<1x128xf32> to vector<64x128xf32>
    %add3A_178 = arith.addf %sub3A_176, %add3A_177 : vector<64x128xf32>
    %add3A_179 = arith.constant 128 : i32
    %add3A_180 = vector.broadcast %add3A_179 : i32 to vector<64x128xi32>
    %add3A_181 = arith.addi %iota3A, %add3A_180 : vector<64x128xi32>
    %lt3A_182 = arith.cmpf olt, %add3A_178, %add3A_157 : vector<64x128xf32>
    %select_n3A_183 = arith.select %lt3A_182, %add3A_178, %add3A_157 : vector<64x128xi1>, vector<64x128xf32>
    %select_n3A_184 = arith.select %lt3A_182, %add3A_181, %add3A_160 : vector<64x128xi1>, vector<64x128xi32>
    %get3A_185 = arith.constant 1 : index
    %get3A_186 = arith.constant 0 : index
    %get3A_187 = arith.constant 256 : index
    %get3A_188 = vector.load %arg2[%get3A_185, %get3A_186, %get3A_187] : memref<8x64x512xf32, #tpu.memory_space<vmem>>, vector<1x64x128xf32>
    %get3A_189 = vector.shape_cast %get3A_188 : vector<1x64x128xf32> to vector<64x128xf32>
    %dot_general3A_190 = arith.constant dense<0.000000e+00> : vector<64x128xf32>
    %dot_general3A_191 = tpu.matmul %get3A_135, %get3A_189, %dot_general3A_190 {dimension_numbers = #tpu.dot_dimension_numbers<[1], [0], [0], [1], [0, 0, 1, 1], [], []>, transpose_lhs_hint = false} : vector<64x64xf32>, vector<64x128xf32>, vector<64x128xf32> -> vector<64x128xf32>
    %mul3A_192 = arith.mulf %get3A_189, %get3A_189 : vector<64x128xf32>
    %reduce_sum3A_193 = arith.constant dense<0.000000e+00> : vector<128xf32>
    %reduce_sum3A_194 = vector.multi_reduction <add>, %mul3A_192, %reduce_sum3A_193 [0] : vector<64x128xf32> to vector<128xf32>
    %broadcast_in_dim3A_195 = vector.shape_cast %reduce_sum3A_194 : vector<128xf32> to vector<1x128xf32>
    %mul3A_196 = arith.constant 2.000000e+00 : f32
    %mul3A_197 = vector.broadcast %mul3A_196 : f32 to vector<64x128xf32>
    %mul3A_198 = arith.mulf %mul3A_197, %dot_general3A_191 : vector<64x128xf32>
    %sub3A_199 = vector.broadcast %broadcast_in_dim3A_139 : vector<64x1xf32> to vector<64x128xf32>
    %sub3A_200 = arith.subf %sub3A_199, %mul3A_198 : vector<64x128xf32>
    %add3A_201 = vector.broadcast %broadcast_in_dim3A_195 : vector<1x128xf32> to vector<64x128xf32>
    %add3A_202 = arith.addf %sub3A_200, %add3A_201 : vector<64x128xf32>
    %add3A_203 = arith.constant 256 : i32
    %add3A_204 = vector.broadcast %add3A_203 : i32 to vector<64x128xi32>
    %add3A_205 = arith.addi %iota3A, %add3A_204 : vector<64x128xi32>
    %lt3A_206 = arith.cmpf olt, %add3A_202, %select_n3A_183 : vector<64x128xf32>
    %select_n3A_207 = arith.select %lt3A_206, %add3A_202, %select_n3A_183 : vector<64x128xi1>, vector<64x128xf32>
    %select_n3A_208 = arith.select %lt3A_206, %add3A_205, %select_n3A_184 : vector<64x128xi1>, vector<64x128xi32>
    %get3A_209 = arith.constant 1 : index
    %get3A_210 = arith.constant 0 : index
    %get3A_211 = arith.constant 384 : index
    %get3A_212 = vector.load %arg2[%get3A_209, %get3A_210, %get3A_211] : memref<8x64x512xf32, #tpu.memory_space<vmem>>, vector<1x64x128xf32>
    %get3A_213 = vector.shape_cast %get3A_212 : vector<1x64x128xf32> to vector<64x128xf32>
    %dot_general3A_214 = arith.constant dense<0.000000e+00> : vector<64x128xf32>
    %dot_general3A_215 = tpu.matmul %get3A_135, %get3A_213, %dot_general3A_214 {dimension_numbers = #tpu.dot_dimension_numbers<[1], [0], [0], [1], [0, 0, 1, 1], [], []>, transpose_lhs_hint = false} : vector<64x64xf32>, vector<64x128xf32>, vector<64x128xf32> -> vector<64x128xf32>
    %mul3A_216 = arith.mulf %get3A_213, %get3A_213 : vector<64x128xf32>
    %reduce_sum3A_217 = arith.constant dense<0.000000e+00> : vector<128xf32>
    %reduce_sum3A_218 = vector.multi_reduction <add>, %mul3A_216, %reduce_sum3A_217 [0] : vector<64x128xf32> to vector<128xf32>
    %broadcast_in_dim3A_219 = vector.shape_cast %reduce_sum3A_218 : vector<128xf32> to vector<1x128xf32>
    %mul3A_220 = arith.constant 2.000000e+00 : f32
    %mul3A_221 = vector.broadcast %mul3A_220 : f32 to vector<64x128xf32>
    %mul3A_222 = arith.mulf %mul3A_221, %dot_general3A_215 : vector<64x128xf32>
    %sub3A_223 = vector.broadcast %broadcast_in_dim3A_139 : vector<64x1xf32> to vector<64x128xf32>
    %sub3A_224 = arith.subf %sub3A_223, %mul3A_222 : vector<64x128xf32>
    %add3A_225 = vector.broadcast %broadcast_in_dim3A_219 : vector<1x128xf32> to vector<64x128xf32>
    %add3A_226 = arith.addf %sub3A_224, %add3A_225 : vector<64x128xf32>
    %add3A_227 = arith.constant 384 : i32
    %add3A_228 = vector.broadcast %add3A_227 : i32 to vector<64x128xi32>
    %add3A_229 = arith.addi %iota3A, %add3A_228 : vector<64x128xi32>
    %lt3A_230 = arith.cmpf olt, %add3A_226, %select_n3A_207 : vector<64x128xf32>
    %select_n3A_231 = arith.select %lt3A_230, %add3A_226, %select_n3A_207 : vector<64x128xi1>, vector<64x128xf32>
    %select_n3A_232 = arith.select %lt3A_230, %add3A_229, %select_n3A_208 : vector<64x128xi1>, vector<64x128xi32>
    %reduce_min3A_233 = arith.constant dense<0x7F800000> : vector<64xf32>
    %reduce_min3A_234 = vector.multi_reduction <minimumf>, %select_n3A_231, %reduce_min3A_233 [1] : vector<64x128xf32> to vector<64xf32>
    %broadcast_in_dim3A_235 = vector.shape_cast %reduce_min3A_234 : vector<64xf32> to vector<64x1xf32>
    %eq3A_236 = vector.broadcast %broadcast_in_dim3A_235 : vector<64x1xf32> to vector<64x128xf32>
    %eq3A_237 = arith.cmpf oeq, %select_n3A_231, %eq3A_236 : vector<64x128xf32>
    %jit3A_238 = arith.constant 512 : i32
    %broadcast_in_dim3A_239 = vector.broadcast %jit3A_238 : i32 to vector<64x128xi32>
    %select_n3A_240 = arith.select %eq3A_237, %select_n3A_232, %broadcast_in_dim3A_239 : vector<64x128xi1>, vector<64x128xi32>
    %reduce_min3A_241 = arith.constant dense<2147483647> : vector<64xi32>
    %reduce_min3A_242 = vector.multi_reduction <minsi>, %select_n3A_240, %reduce_min3A_241 [1] : vector<64x128xi32> to vector<64xi32>
    %swap3A_243 = arith.constant 1 : index
    %swap3A_244 = arith.constant 0 : index
    %swap3A_245 = vector.load %arg4[%swap3A_243, %swap3A_244] : memref<8x64xi32, #tpu.memory_space<vmem>>, vector<1x64xi32>
    %swap3A_246 = vector.shape_cast %swap3A_245 : vector<1x64xi32> to vector<64xi32>
    %swap3A_247 = vector.shape_cast %reduce_min3A_242 : vector<64xi32> to vector<1x64xi32>
    tpu.vector_store %arg4[%swap3A_243, %swap3A_244], %swap3A_247 {strides = array<i32>} : memref<8x64xi32, #tpu.memory_space<vmem>>, vector<1x64xi32>,
    %add3A_248 = arith.addf %add3A_109, %broadcast_in_dim3A_235 : vector<64x1xf32>
    %iota3A_249 = tpu.iota {dimensions = array<i32: 1>} : vector<64x512xi32>
    %broadcast_in_dim3A_250 = vector.shape_cast %reduce_min3A_242 : vector<64xi32> to vector<64x1xi32>
    %eq3A_251 = vector.broadcast %broadcast_in_dim3A_250 : vector<64x1xi32> to vector<64x512xi32>
    %eq3A_252 = arith.cmpi eq, %iota3A_249, %eq3A_251 : vector<64x512xi32>
    %convert_element_type3A_253 = arith.extui %eq3A_252 : vector<64x512xi1> to vector<64x512xi32>
    %convert_element_type3A_254 = arith.sitofp %convert_element_type3A_253 : vector<64x512xi32> to vector<64x512xf32>
    %get3A_255 = arith.constant 1 : index
    %get3A_256 = arith.constant 0 : index
    %get3A_257 = arith.constant 0 : index
    %get3A_258 = vector.load %arg2[%get3A_255, %get3A_256, %get3A_257] : memref<8x64x512xf32, #tpu.memory_space<vmem>>, vector<1x64x512xf32>
    %get3A_259 = vector.shape_cast %get3A_258 : vector<1x64x512xf32> to vector<64x512xf32>
    %dot_general3A_260 = arith.constant dense<0.000000e+00> : vector<64x64xf32>
    %dot_general3A_261 = tpu.matmul %convert_element_type3A_254, %get3A_259, %dot_general3A_260 {dimension_numbers = #tpu.dot_dimension_numbers<[1], [1], [0], [0], [0, 0, 1, 0], [], []>, transpose_lhs_hint = false} : vector<64x512xf32>, vector<64x512xf32>, vector<64x64xf32> -> vector<64x64xf32>
    %sub3A_262 = arith.subf %dot_general3A_261, %get3A_135 : vector<64x64xf32>
    %add3A_263 = arith.addf %get3A_135, %sub3A_262 : vector<64x64xf32>
    %swap3A_264 = arith.constant 1 : index
    %swap3A_265 = arith.constant 0 : index
    %swap3A_266 = arith.constant 0 : index
    %swap3A_267 = vector.load %arg3[%swap3A_264, %swap3A_265, %swap3A_266] : memref<8x64x64xf32, #tpu.memory_space<vmem>>, vector<1x64x64xf32>
    %swap3A_268 = vector.shape_cast %swap3A_267 : vector<1x64x64xf32> to vector<64x64xf32>
    %swap3A_269 = vector.shape_cast %add3A_263 : vector<64x64xf32> to vector<1x64x64xf32>
    tpu.vector_store %arg3[%swap3A_264, %swap3A_265, %swap3A_266], %swap3A_269 {strides = array<i32>} : memref<8x64x64xf32, #tpu.memory_space<vmem>>, vector<1x64x64xf32>,
    %get3A_270 = arith.constant 2 : index
    %get3A_271 = arith.constant 0 : index
    %get3A_272 = arith.constant 0 : index
    %get3A_273 = vector.load %arg1[%get3A_270, %get3A_271, %get3A_272] : memref<8x64x64xf32, #tpu.memory_space<vmem>>, vector<1x64x64xf32>
    %get3A_274 = vector.shape_cast %get3A_273 : vector<1x64x64xf32> to vector<64x64xf32>
    %mul3A_275 = arith.mulf %get3A_274, %get3A_274 : vector<64x64xf32>
    %reduce_sum3A_276 = arith.constant dense<0.000000e+00> : vector<64xf32>
    %reduce_sum3A_277 = vector.multi_reduction <add>, %mul3A_275, %reduce_sum3A_276 [1] : vector<64x64xf32> to vector<64xf32>
    %broadcast_in_dim3A_278 = vector.shape_cast %reduce_sum3A_277 : vector<64xf32> to vector<64x1xf32>
    %get3A_279 = arith.constant 2 : index
    %get3A_280 = arith.constant 0 : index
    %get3A_281 = arith.constant 0 : index
    %get3A_282 = vector.load %arg2[%get3A_279, %get3A_280, %get3A_281] : memref<8x64x512xf32, #tpu.memory_space<vmem>>, vector<1x64x128xf32>
    %get3A_283 = vector.shape_cast %get3A_282 : vector<1x64x128xf32> to vector<64x128xf32>
    %dot_general3A_284 = arith.constant dense<0.000000e+00> : vector<64x128xf32>
    %dot_general3A_285 = tpu.matmul %get3A_274, %get3A_283, %dot_general3A_284 {dimension_numbers = #tpu.dot_dimension_numbers<[1], [0], [0], [1], [0, 0, 1, 1], [], []>, transpose_lhs_hint = false} : vector<64x64xf32>, vector<64x128xf32>, vector<64x128xf32> -> vector<64x128xf32>
    %mul3A_286 = arith.mulf %get3A_283, %get3A_283 : vector<64x128xf32>
    %reduce_sum3A_287 = arith.constant dense<0.000000e+00> : vector<128xf32>
    %reduce_sum3A_288 = vector.multi_reduction <add>, %mul3A_286, %reduce_sum3A_287 [0] : vector<64x128xf32> to vector<128xf32>
    %broadcast_in_dim3A_289 = vector.shape_cast %reduce_sum3A_288 : vector<128xf32> to vector<1x128xf32>
    %mul3A_290 = arith.constant 2.000000e+00 : f32
    %mul3A_291 = vector.broadcast %mul3A_290 : f32 to vector<64x128xf32>
    %mul3A_292 = arith.mulf %mul3A_291, %dot_general3A_285 : vector<64x128xf32>
    %sub3A_293 = vector.broadcast %broadcast_in_dim3A_278 : vector<64x1xf32> to vector<64x128xf32>
    %sub3A_294 = arith.subf %sub3A_293, %mul3A_292 : vector<64x128xf32>
    %add3A_295 = vector.broadcast %broadcast_in_dim3A_289 : vector<1x128xf32> to vector<64x128xf32>
    %add3A_296 = arith.addf %sub3A_294, %add3A_295 : vector<64x128xf32>
    %add3A_297 = arith.constant 0 : i32
    %add3A_298 = vector.broadcast %add3A_297 : i32 to vector<64x128xi32>
    %add3A_299 = arith.addi %iota3A, %add3A_298 : vector<64x128xi32>
    %get3A_300 = arith.constant 2 : index
    %get3A_301 = arith.constant 0 : index
    %get3A_302 = arith.constant 128 : index
    %get3A_303 = vector.load %arg2[%get3A_300, %get3A_301, %get3A_302] : memref<8x64x512xf32, #tpu.memory_space<vmem>>, vector<1x64x128xf32>
    %get3A_304 = vector.shape_cast %get3A_303 : vector<1x64x128xf32> to vector<64x128xf32>
    %dot_general3A_305 = arith.constant dense<0.000000e+00> : vector<64x128xf32>
    %dot_general3A_306 = tpu.matmul %get3A_274, %get3A_304, %dot_general3A_305 {dimension_numbers = #tpu.dot_dimension_numbers<[1], [0], [0], [1], [0, 0, 1, 1], [], []>, transpose_lhs_hint = false} : vector<64x64xf32>, vector<64x128xf32>, vector<64x128xf32> -> vector<64x128xf32>
    %mul3A_307 = arith.mulf %get3A_304, %get3A_304 : vector<64x128xf32>
    %reduce_sum3A_308 = arith.constant dense<0.000000e+00> : vector<128xf32>
    %reduce_sum3A_309 = vector.multi_reduction <add>, %mul3A_307, %reduce_sum3A_308 [0] : vector<64x128xf32> to vector<128xf32>
    %broadcast_in_dim3A_310 = vector.shape_cast %reduce_sum3A_309 : vector<128xf32> to vector<1x128xf32>
    %mul3A_311 = arith.constant 2.000000e+00 : f32
    %mul3A_312 = vector.broadcast %mul3A_311 : f32 to vector<64x128xf32>
    %mul3A_313 = arith.mulf %mul3A_312, %dot_general3A_306 : vector<64x128xf32>
    %sub3A_314 = vector.broadcast %broadcast_in_dim3A_278 : vector<64x1xf32> to vector<64x128xf32>
    %sub3A_315 = arith.subf %sub3A_314, %mul3A_313 : vector<64x128xf32>
    %add3A_316 = vector.broadcast %broadcast_in_dim3A_310 : vector<1x128xf32> to vector<64x128xf32>
    %add3A_317 = arith.addf %sub3A_315, %add3A_316 : vector<64x128xf32>
    %add3A_318 = arith.constant 128 : i32
    %add3A_319 = vector.broadcast %add3A_318 : i32 to vector<64x128xi32>
    %add3A_320 = arith.addi %iota3A, %add3A_319 : vector<64x128xi32>
    %lt3A_321 = arith.cmpf olt, %add3A_317, %add3A_296 : vector<64x128xf32>
    %select_n3A_322 = arith.select %lt3A_321, %add3A_317, %add3A_296 : vector<64x128xi1>, vector<64x128xf32>
    %select_n3A_323 = arith.select %lt3A_321, %add3A_320, %add3A_299 : vector<64x128xi1>, vector<64x128xi32>
    %get3A_324 = arith.constant 2 : index
    %get3A_325 = arith.constant 0 : index
    %get3A_326 = arith.constant 256 : index
    %get3A_327 = vector.load %arg2[%get3A_324, %get3A_325, %get3A_326] : memref<8x64x512xf32, #tpu.memory_space<vmem>>, vector<1x64x128xf32>
    %get3A_328 = vector.shape_cast %get3A_327 : vector<1x64x128xf32> to vector<64x128xf32>
    %dot_general3A_329 = arith.constant dense<0.000000e+00> : vector<64x128xf32>
    %dot_general3A_330 = tpu.matmul %get3A_274, %get3A_328, %dot_general3A_329 {dimension_numbers = #tpu.dot_dimension_numbers<[1], [0], [0], [1], [0, 0, 1, 1], [], []>, transpose_lhs_hint = false} : vector<64x64xf32>, vector<64x128xf32>, vector<64x128xf32> -> vector<64x128xf32>
    %mul3A_331 = arith.mulf %get3A_328, %get3A_328 : vector<64x128xf32>
    %reduce_sum3A_332 = arith.constant dense<0.000000e+00> : vector<128xf32>
    %reduce_sum3A_333 = vector.multi_reduction <add>, %mul3A_331, %reduce_sum3A_332 [0] : vector<64x128xf32> to vector<128xf32>
    %broadcast_in_dim3A_334 = vector.shape_cast %reduce_sum3A_333 : vector<128xf32> to vector<1x128xf32>
    %mul3A_335 = arith.constant 2.000000e+00 : f32
    %mul3A_336 = vector.broadcast %mul3A_335 : f32 to vector<64x128xf32>
    %mul3A_337 = arith.mulf %mul3A_336, %dot_general3A_330 : vector<64x128xf32>
    %sub3A_338 = vector.broadcast %broadcast_in_dim3A_278 : vector<64x1xf32> to vector<64x128xf32>
    %sub3A_339 = arith.subf %sub3A_338, %mul3A_337 : vector<64x128xf32>
    %add3A_340 = vector.broadcast %broadcast_in_dim3A_334 : vector<1x128xf32> to vector<64x128xf32>
    %add3A_341 = arith.addf %sub3A_339, %add3A_340 : vector<64x128xf32>
    %add3A_342 = arith.constant 256 : i32
    %add3A_343 = vector.broadcast %add3A_342 : i32 to vector<64x128xi32>
    %add3A_344 = arith.addi %iota3A, %add3A_343 : vector<64x128xi32>
    %lt3A_345 = arith.cmpf olt, %add3A_341, %select_n3A_322 : vector<64x128xf32>
    %select_n3A_346 = arith.select %lt3A_345, %add3A_341, %select_n3A_322 : vector<64x128xi1>, vector<64x128xf32>
    %select_n3A_347 = arith.select %lt3A_345, %add3A_344, %select_n3A_323 : vector<64x128xi1>, vector<64x128xi32>
    %get3A_348 = arith.constant 2 : index
    %get3A_349 = arith.constant 0 : index
    %get3A_350 = arith.constant 384 : index
    %get3A_351 = vector.load %arg2[%get3A_348, %get3A_349, %get3A_350] : memref<8x64x512xf32, #tpu.memory_space<vmem>>, vector<1x64x128xf32>
    %get3A_352 = vector.shape_cast %get3A_351 : vector<1x64x128xf32> to vector<64x128xf32>
    %dot_general3A_353 = arith.constant dense<0.000000e+00> : vector<64x128xf32>
    %dot_general3A_354 = tpu.matmul %get3A_274, %get3A_352, %dot_general3A_353 {dimension_numbers = #tpu.dot_dimension_numbers<[1], [0], [0], [1], [0, 0, 1, 1], [], []>, transpose_lhs_hint = false} : vector<64x64xf32>, vector<64x128xf32>, vector<64x128xf32> -> vector<64x128xf32>
    %mul3A_355 = arith.mulf %get3A_352, %get3A_352 : vector<64x128xf32>
    %reduce_sum3A_356 = arith.constant dense<0.000000e+00> : vector<128xf32>
    %reduce_sum3A_357 = vector.multi_reduction <add>, %mul3A_355, %reduce_sum3A_356 [0] : vector<64x128xf32> to vector<128xf32>
    %broadcast_in_dim3A_358 = vector.shape_cast %reduce_sum3A_357 : vector<128xf32> to vector<1x128xf32>
    %mul3A_359 = arith.constant 2.000000e+00 : f32
    %mul3A_360 = vector.broadcast %mul3A_359 : f32 to vector<64x128xf32>
    %mul3A_361 = arith.mulf %mul3A_360, %dot_general3A_354 : vector<64x128xf32>
    %sub3A_362 = vector.broadcast %broadcast_in_dim3A_278 : vector<64x1xf32> to vector<64x128xf32>
    %sub3A_363 = arith.subf %sub3A_362, %mul3A_361 : vector<64x128xf32>
    %add3A_364 = vector.broadcast %broadcast_in_dim3A_358 : vector<1x128xf32> to vector<64x128xf32>
    %add3A_365 = arith.addf %sub3A_363, %add3A_364 : vector<64x128xf32>
    %add3A_366 = arith.constant 384 : i32
    %add3A_367 = vector.broadcast %add3A_366 : i32 to vector<64x128xi32>
    %add3A_368 = arith.addi %iota3A, %add3A_367 : vector<64x128xi32>
    %lt3A_369 = arith.cmpf olt, %add3A_365, %select_n3A_346 : vector<64x128xf32>
    %select_n3A_370 = arith.select %lt3A_369, %add3A_365, %select_n3A_346 : vector<64x128xi1>, vector<64x128xf32>
    %select_n3A_371 = arith.select %lt3A_369, %add3A_368, %select_n3A_347 : vector<64x128xi1>, vector<64x128xi32>
    %reduce_min3A_372 = arith.constant dense<0x7F800000> : vector<64xf32>
    %reduce_min3A_373 = vector.multi_reduction <minimumf>, %select_n3A_370, %reduce_min3A_372 [1] : vector<64x128xf32> to vector<64xf32>
    %broadcast_in_dim3A_374 = vector.shape_cast %reduce_min3A_373 : vector<64xf32> to vector<64x1xf32>
    %eq3A_375 = vector.broadcast %broadcast_in_dim3A_374 : vector<64x1xf32> to vector<64x128xf32>
    %eq3A_376 = arith.cmpf oeq, %select_n3A_370, %eq3A_375 : vector<64x128xf32>
    %jit3A_377 = arith.constant 512 : i32
    %broadcast_in_dim3A_378 = vector.broadcast %jit3A_377 : i32 to vector<64x128xi32>
    %select_n3A_379 = arith.select %eq3A_376, %select_n3A_371, %broadcast_in_dim3A_378 : vector<64x128xi1>, vector<64x128xi32>
    %reduce_min3A_380 = arith.constant dense<2147483647> : vector<64xi32>
    %reduce_min3A_381 = vector.multi_reduction <minsi>, %select_n3A_379, %reduce_min3A_380 [1] : vector<64x128xi32> to vector<64xi32>
    %swap3A_382 = arith.constant 2 : index
    %swap3A_383 = arith.constant 0 : index
    %swap3A_384 = vector.load %arg4[%swap3A_382, %swap3A_383] : memref<8x64xi32, #tpu.memory_space<vmem>>, vector<1x64xi32>
    %swap3A_385 = vector.shape_cast %swap3A_384 : vector<1x64xi32> to vector<64xi32>
    %swap3A_386 = vector.shape_cast %reduce_min3A_381 : vector<64xi32> to vector<1x64xi32>
    tpu.vector_store %arg4[%swap3A_382, %swap3A_383], %swap3A_386 {strides = array<i32>} : memref<8x64xi32, #tpu.memory_space<vmem>>, vector<1x64xi32>,
    %add3A_387 = arith.addf %add3A_248, %broadcast_in_dim3A_374 : vector<64x1xf32>
    %iota3A_388 = tpu.iota {dimensions = array<i32: 1>} : vector<64x512xi32>
    %broadcast_in_dim3A_389 = vector.shape_cast %reduce_min3A_381 : vector<64xi32> to vector<64x1xi32>
    %eq3A_390 = vector.broadcast %broadcast_in_dim3A_389 : vector<64x1xi32> to vector<64x512xi32>
    %eq3A_391 = arith.cmpi eq, %iota3A_388, %eq3A_390 : vector<64x512xi32>
    %convert_element_type3A_392 = arith.extui %eq3A_391 : vector<64x512xi1> to vector<64x512xi32>
    %convert_element_type3A_393 = arith.sitofp %convert_element_type3A_392 : vector<64x512xi32> to vector<64x512xf32>
    %get3A_394 = arith.constant 2 : index
    %get3A_395 = arith.constant 0 : index
    %get3A_396 = arith.constant 0 : index
    %get3A_397 = vector.load %arg2[%get3A_394, %get3A_395, %get3A_396] : memref<8x64x512xf32, #tpu.memory_space<vmem>>, vector<1x64x512xf32>
    %get3A_398 = vector.shape_cast %get3A_397 : vector<1x64x512xf32> to vector<64x512xf32>
    %dot_general3A_399 = arith.constant dense<0.000000e+00> : vector<64x64xf32>
    %dot_general3A_400 = tpu.matmul %convert_element_type3A_393, %get3A_398, %dot_general3A_399 {dimension_numbers = #tpu.dot_dimension_numbers<[1], [1], [0], [0], [0, 0, 1, 0], [], []>, transpose_lhs_hint = false} : vector<64x512xf32>, vector<64x512xf32>, vector<64x64xf32> -> vector<64x64xf32>
    %sub3A_401 = arith.subf %dot_general3A_400, %get3A_274 : vector<64x64xf32>
    %add3A_402 = arith.addf %get3A_274, %sub3A_401 : vector<64x64xf32>
    %swap3A_403 = arith.constant 2 : index
    %swap3A_404 = arith.constant 0 : index
    %swap3A_405 = arith.constant 0 : index
    %swap3A_406 = vector.load %arg3[%swap3A_403, %swap3A_404, %swap3A_405] : memref<8x64x64xf32, #tpu.memory_space<vmem>>, vector<1x64x64xf32>
    %swap3A_407 = vector.shape_cast %swap3A_406 : vector<1x64x64xf32> to vector<64x64xf32>
    %swap3A_408 = vector.shape_cast %add3A_402 : vector<64x64xf32> to vector<1x64x64xf32>
    tpu.vector_store %arg3[%swap3A_403, %swap3A_404, %swap3A_405], %swap3A_408 {strides = array<i32>} : memref<8x64x64xf32, #tpu.memory_space<vmem>>, vector<1x64x64xf32>,
    %get3A_409 = arith.constant 3 : index
    %get3A_410 = arith.constant 0 : index
    %get3A_411 = arith.constant 0 : index
    %get3A_412 = vector.load %arg1[%get3A_409, %get3A_410, %get3A_411] : memref<8x64x64xf32, #tpu.memory_space<vmem>>, vector<1x64x64xf32>
    %get3A_413 = vector.shape_cast %get3A_412 : vector<1x64x64xf32> to vector<64x64xf32>
    %mul3A_414 = arith.mulf %get3A_413, %get3A_413 : vector<64x64xf32>
    %reduce_sum3A_415 = arith.constant dense<0.000000e+00> : vector<64xf32>
    %reduce_sum3A_416 = vector.multi_reduction <add>, %mul3A_414, %reduce_sum3A_415 [1] : vector<64x64xf32> to vector<64xf32>
    %broadcast_in_dim3A_417 = vector.shape_cast %reduce_sum3A_416 : vector<64xf32> to vector<64x1xf32>
    %get3A_418 = arith.constant 3 : index
    %get3A_419 = arith.constant 0 : index
    %get3A_420 = arith.constant 0 : index
    %get3A_421 = vector.load %arg2[%get3A_418, %get3A_419, %get3A_420] : memref<8x64x512xf32, #tpu.memory_space<vmem>>, vector<1x64x128xf32>
    %get3A_422 = vector.shape_cast %get3A_421 : vector<1x64x128xf32> to vector<64x128xf32>
    %dot_general3A_423 = arith.constant dense<0.000000e+00> : vector<64x128xf32>
    %dot_general3A_424 = tpu.matmul %get3A_413, %get3A_422, %dot_general3A_423 {dimension_numbers = #tpu.dot_dimension_numbers<[1], [0], [0], [1], [0, 0, 1, 1], [], []>, transpose_lhs_hint = false} : vector<64x64xf32>, vector<64x128xf32>, vector<64x128xf32> -> vector<64x128xf32>
    %mul3A_425 = arith.mulf %get3A_422, %get3A_422 : vector<64x128xf32>
    %reduce_sum3A_426 = arith.constant dense<0.000000e+00> : vector<128xf32>
    %reduce_sum3A_427 = vector.multi_reduction <add>, %mul3A_425, %reduce_sum3A_426 [0] : vector<64x128xf32> to vector<128xf32>
    %broadcast_in_dim3A_428 = vector.shape_cast %reduce_sum3A_427 : vector<128xf32> to vector<1x128xf32>
    %mul3A_429 = arith.constant 2.000000e+00 : f32
    %mul3A_430 = vector.broadcast %mul3A_429 : f32 to vector<64x128xf32>
    %mul3A_431 = arith.mulf %mul3A_430, %dot_general3A_424 : vector<64x128xf32>
    %sub3A_432 = vector.broadcast %broadcast_in_dim3A_417 : vector<64x1xf32> to vector<64x128xf32>
    %sub3A_433 = arith.subf %sub3A_432, %mul3A_431 : vector<64x128xf32>
    %add3A_434 = vector.broadcast %broadcast_in_dim3A_428 : vector<1x128xf32> to vector<64x128xf32>
    %add3A_435 = arith.addf %sub3A_433, %add3A_434 : vector<64x128xf32>
    %add3A_436 = arith.constant 0 : i32
    %add3A_437 = vector.broadcast %add3A_436 : i32 to vector<64x128xi32>
    %add3A_438 = arith.addi %iota3A, %add3A_437 : vector<64x128xi32>
    %get3A_439 = arith.constant 3 : index
    %get3A_440 = arith.constant 0 : index
    %get3A_441 = arith.constant 128 : index
    %get3A_442 = vector.load %arg2[%get3A_439, %get3A_440, %get3A_441] : memref<8x64x512xf32, #tpu.memory_space<vmem>>, vector<1x64x128xf32>
    %get3A_443 = vector.shape_cast %get3A_442 : vector<1x64x128xf32> to vector<64x128xf32>
    %dot_general3A_444 = arith.constant dense<0.000000e+00> : vector<64x128xf32>
    %dot_general3A_445 = tpu.matmul %get3A_413, %get3A_443, %dot_general3A_444 {dimension_numbers = #tpu.dot_dimension_numbers<[1], [0], [0], [1], [0, 0, 1, 1], [], []>, transpose_lhs_hint = false} : vector<64x64xf32>, vector<64x128xf32>, vector<64x128xf32> -> vector<64x128xf32>
    %mul3A_446 = arith.mulf %get3A_443, %get3A_443 : vector<64x128xf32>
    %reduce_sum3A_447 = arith.constant dense<0.000000e+00> : vector<128xf32>
    %reduce_sum3A_448 = vector.multi_reduction <add>, %mul3A_446, %reduce_sum3A_447 [0] : vector<64x128xf32> to vector<128xf32>
    %broadcast_in_dim3A_449 = vector.shape_cast %reduce_sum3A_448 : vector<128xf32> to vector<1x128xf32>
    %mul3A_450 = arith.constant 2.000000e+00 : f32
    %mul3A_451 = vector.broadcast %mul3A_450 : f32 to vector<64x128xf32>
    %mul3A_452 = arith.mulf %mul3A_451, %dot_general3A_445 : vector<64x128xf32>
    %sub3A_453 = vector.broadcast %broadcast_in_dim3A_417 : vector<64x1xf32> to vector<64x128xf32>
    %sub3A_454 = arith.subf %sub3A_453, %mul3A_452 : vector<64x128xf32>
    %add3A_455 = vector.broadcast %broadcast_in_dim3A_449 : vector<1x128xf32> to vector<64x128xf32>
    %add3A_456 = arith.addf %sub3A_454, %add3A_455 : vector<64x128xf32>
    %add3A_457 = arith.constant 128 : i32
    %add3A_458 = vector.broadcast %add3A_457 : i32 to vector<64x128xi32>
    %add3A_459 = arith.addi %iota3A, %add3A_458 : vector<64x128xi32>
    %lt3A_460 = arith.cmpf olt, %add3A_456, %add3A_435 : vector<64x128xf32>
    %select_n3A_461 = arith.select %lt3A_460, %add3A_456, %add3A_435 : vector<64x128xi1>, vector<64x128xf32>
    %select_n3A_462 = arith.select %lt3A_460, %add3A_459, %add3A_438 : vector<64x128xi1>, vector<64x128xi32>
    %get3A_463 = arith.constant 3 : index
    %get3A_464 = arith.constant 0 : index
    %get3A_465 = arith.constant 256 : index
    %get3A_466 = vector.load %arg2[%get3A_463, %get3A_464, %get3A_465] : memref<8x64x512xf32, #tpu.memory_space<vmem>>, vector<1x64x128xf32>
    %get3A_467 = vector.shape_cast %get3A_466 : vector<1x64x128xf32> to vector<64x128xf32>
    %dot_general3A_468 = arith.constant dense<0.000000e+00> : vector<64x128xf32>
    %dot_general3A_469 = tpu.matmul %get3A_413, %get3A_467, %dot_general3A_468 {dimension_numbers = #tpu.dot_dimension_numbers<[1], [0], [0], [1], [0, 0, 1, 1], [], []>, transpose_lhs_hint = false} : vector<64x64xf32>, vector<64x128xf32>, vector<64x128xf32> -> vector<64x128xf32>
    %mul3A_470 = arith.mulf %get3A_467, %get3A_467 : vector<64x128xf32>
    %reduce_sum3A_471 = arith.constant dense<0.000000e+00> : vector<128xf32>
    %reduce_sum3A_472 = vector.multi_reduction <add>, %mul3A_470, %reduce_sum3A_471 [0] : vector<64x128xf32> to vector<128xf32>
    %broadcast_in_dim3A_473 = vector.shape_cast %reduce_sum3A_472 : vector<128xf32> to vector<1x128xf32>
    %mul3A_474 = arith.constant 2.000000e+00 : f32
    %mul3A_475 = vector.broadcast %mul3A_474 : f32 to vector<64x128xf32>
    %mul3A_476 = arith.mulf %mul3A_475, %dot_general3A_469 : vector<64x128xf32>
    %sub3A_477 = vector.broadcast %broadcast_in_dim3A_417 : vector<64x1xf32> to vector<64x128xf32>
    %sub3A_478 = arith.subf %sub3A_477, %mul3A_476 : vector<64x128xf32>
    %add3A_479 = vector.broadcast %broadcast_in_dim3A_473 : vector<1x128xf32> to vector<64x128xf32>
    %add3A_480 = arith.addf %sub3A_478, %add3A_479 : vector<64x128xf32>
    %add3A_481 = arith.constant 256 : i32
    %add3A_482 = vector.broadcast %add3A_481 : i32 to vector<64x128xi32>
    %add3A_483 = arith.addi %iota3A, %add3A_482 : vector<64x128xi32>
    %lt3A_484 = arith.cmpf olt, %add3A_480, %select_n3A_461 : vector<64x128xf32>
    %select_n3A_485 = arith.select %lt3A_484, %add3A_480, %select_n3A_461 : vector<64x128xi1>, vector<64x128xf32>
    %select_n3A_486 = arith.select %lt3A_484, %add3A_483, %select_n3A_462 : vector<64x128xi1>, vector<64x128xi32>
    %get3A_487 = arith.constant 3 : index
    %get3A_488 = arith.constant 0 : index
    %get3A_489 = arith.constant 384 : index
    %get3A_490 = vector.load %arg2[%get3A_487, %get3A_488, %get3A_489] : memref<8x64x512xf32, #tpu.memory_space<vmem>>, vector<1x64x128xf32>
    %get3A_491 = vector.shape_cast %get3A_490 : vector<1x64x128xf32> to vector<64x128xf32>
    %dot_general3A_492 = arith.constant dense<0.000000e+00> : vector<64x128xf32>
    %dot_general3A_493 = tpu.matmul %get3A_413, %get3A_491, %dot_general3A_492 {dimension_numbers = #tpu.dot_dimension_numbers<[1], [0], [0], [1], [0, 0, 1, 1], [], []>, transpose_lhs_hint = false} : vector<64x64xf32>, vector<64x128xf32>, vector<64x128xf32> -> vector<64x128xf32>
    %mul3A_494 = arith.mulf %get3A_491, %get3A_491 : vector<64x128xf32>
    %reduce_sum3A_495 = arith.constant dense<0.000000e+00> : vector<128xf32>
    %reduce_sum3A_496 = vector.multi_reduction <add>, %mul3A_494, %reduce_sum3A_495 [0] : vector<64x128xf32> to vector<128xf32>
    %broadcast_in_dim3A_497 = vector.shape_cast %reduce_sum3A_496 : vector<128xf32> to vector<1x128xf32>
    %mul3A_498 = arith.constant 2.000000e+00 : f32
    %mul3A_499 = vector.broadcast %mul3A_498 : f32 to vector<64x128xf32>
    %mul3A_500 = arith.mulf %mul3A_499, %dot_general3A_493 : vector<64x128xf32>
    %sub3A_501 = vector.broadcast %broadcast_in_dim3A_417 : vector<64x1xf32> to vector<64x128xf32>
    %sub3A_502 = arith.subf %sub3A_501, %mul3A_500 : vector<64x128xf32>
    %add3A_503 = vector.broadcast %broadcast_in_dim3A_497 : vector<1x128xf32> to vector<64x128xf32>
    %add3A_504 = arith.addf %sub3A_502, %add3A_503 : vector<64x128xf32>
    %add3A_505 = arith.constant 384 : i32
    %add3A_506 = vector.broadcast %add3A_505 : i32 to vector<64x128xi32>
    %add3A_507 = arith.addi %iota3A, %add3A_506 : vector<64x128xi32>
    %lt3A_508 = arith.cmpf olt, %add3A_504, %select_n3A_485 : vector<64x128xf32>
    %select_n3A_509 = arith.select %lt3A_508, %add3A_504, %select_n3A_485 : vector<64x128xi1>, vector<64x128xf32>
    %select_n3A_510 = arith.select %lt3A_508, %add3A_507, %select_n3A_486 : vector<64x128xi1>, vector<64x128xi32>
    %reduce_min3A_511 = arith.constant dense<0x7F800000> : vector<64xf32>
    %reduce_min3A_512 = vector.multi_reduction <minimumf>, %select_n3A_509, %reduce_min3A_511 [1] : vector<64x128xf32> to vector<64xf32>
    %broadcast_in_dim3A_513 = vector.shape_cast %reduce_min3A_512 : vector<64xf32> to vector<64x1xf32>
    %eq3A_514 = vector.broadcast %broadcast_in_dim3A_513 : vector<64x1xf32> to vector<64x128xf32>
    %eq3A_515 = arith.cmpf oeq, %select_n3A_509, %eq3A_514 : vector<64x128xf32>
    %jit3A_516 = arith.constant 512 : i32
    %broadcast_in_dim3A_517 = vector.broadcast %jit3A_516 : i32 to vector<64x128xi32>
    %select_n3A_518 = arith.select %eq3A_515, %select_n3A_510, %broadcast_in_dim3A_517 : vector<64x128xi1>, vector<64x128xi32>
    %reduce_min3A_519 = arith.constant dense<2147483647> : vector<64xi32>
    %reduce_min3A_520 = vector.multi_reduction <minsi>, %select_n3A_518, %reduce_min3A_519 [1] : vector<64x128xi32> to vector<64xi32>
    %swap3A_521 = arith.constant 3 : index
    %swap3A_522 = arith.constant 0 : index
    %swap3A_523 = vector.load %arg4[%swap3A_521, %swap3A_522] : memref<8x64xi32, #tpu.memory_space<vmem>>, vector<1x64xi32>
    %swap3A_524 = vector.shape_cast %swap3A_523 : vector<1x64xi32> to vector<64xi32>
    %swap3A_525 = vector.shape_cast %reduce_min3A_520 : vector<64xi32> to vector<1x64xi32>
    tpu.vector_store %arg4[%swap3A_521, %swap3A_522], %swap3A_525 {strides = array<i32>} : memref<8x64xi32, #tpu.memory_space<vmem>>, vector<1x64xi32>,
    %add3A_526 = arith.addf %add3A_387, %broadcast_in_dim3A_513 : vector<64x1xf32>
    %iota3A_527 = tpu.iota {dimensions = array<i32: 1>} : vector<64x512xi32>
    %broadcast_in_dim3A_528 = vector.shape_cast %reduce_min3A_520 : vector<64xi32> to vector<64x1xi32>
    %eq3A_529 = vector.broadcast %broadcast_in_dim3A_528 : vector<64x1xi32> to vector<64x512xi32>
    %eq3A_530 = arith.cmpi eq, %iota3A_527, %eq3A_529 : vector<64x512xi32>
    %convert_element_type3A_531 = arith.extui %eq3A_530 : vector<64x512xi1> to vector<64x512xi32>
    %convert_element_type3A_532 = arith.sitofp %convert_element_type3A_531 : vector<64x512xi32> to vector<64x512xf32>
    %get3A_533 = arith.constant 3 : index
    %get3A_534 = arith.constant 0 : index
    %get3A_535 = arith.constant 0 : index
    %get3A_536 = vector.load %arg2[%get3A_533, %get3A_534, %get3A_535] : memref<8x64x512xf32, #tpu.memory_space<vmem>>, vector<1x64x512xf32>
    %get3A_537 = vector.shape_cast %get3A_536 : vector<1x64x512xf32> to vector<64x512xf32>
    %dot_general3A_538 = arith.constant dense<0.000000e+00> : vector<64x64xf32>
    %dot_general3A_539 = tpu.matmul %convert_element_type3A_532, %get3A_537, %dot_general3A_538 {dimension_numbers = #tpu.dot_dimension_numbers<[1], [1], [0], [0], [0, 0, 1, 0], [], []>, transpose_lhs_hint = false} : vector<64x512xf32>, vector<64x512xf32>, vector<64x64xf32> -> vector<64x64xf32>
    %sub3A_540 = arith.subf %dot_general3A_539, %get3A_413 : vector<64x64xf32>
    %add3A_541 = arith.addf %get3A_413, %sub3A_540 : vector<64x64xf32>
    %swap3A_542 = arith.constant 3 : index
    %swap3A_543 = arith.constant 0 : index
    %swap3A_544 = arith.constant 0 : index
    %swap3A_545 = vector.load %arg3[%swap3A_542, %swap3A_543, %swap3A_544] : memref<8x64x64xf32, #tpu.memory_space<vmem>>, vector<1x64x64xf32>
    %swap3A_546 = vector.shape_cast %swap3A_545 : vector<1x64x64xf32> to vector<64x64xf32>
    %swap3A_547 = vector.shape_cast %add3A_541 : vector<64x64xf32> to vector<1x64x64xf32>
    tpu.vector_store %arg3[%swap3A_542, %swap3A_543, %swap3A_544], %swap3A_547 {strides = array<i32>} : memref<8x64x64xf32, #tpu.memory_space<vmem>>, vector<1x64x64xf32>,
    %get3A_548 = arith.constant 4 : index
    %get3A_549 = arith.constant 0 : index
    %get3A_550 = arith.constant 0 : index
    %get3A_551 = vector.load %arg1[%get3A_548, %get3A_549, %get3A_550] : memref<8x64x64xf32, #tpu.memory_space<vmem>>, vector<1x64x64xf32>
    %get3A_552 = vector.shape_cast %get3A_551 : vector<1x64x64xf32> to vector<64x64xf32>
    %mul3A_553 = arith.mulf %get3A_552, %get3A_552 : vector<64x64xf32>
    %reduce_sum3A_554 = arith.constant dense<0.000000e+00> : vector<64xf32>
    %reduce_sum3A_555 = vector.multi_reduction <add>, %mul3A_553, %reduce_sum3A_554 [1] : vector<64x64xf32> to vector<64xf32>
    %broadcast_in_dim3A_556 = vector.shape_cast %reduce_sum3A_555 : vector<64xf32> to vector<64x1xf32>
    %get3A_557 = arith.constant 4 : index
    %get3A_558 = arith.constant 0 : index
    %get3A_559 = arith.constant 0 : index
    %get3A_560 = vector.load %arg2[%get3A_557, %get3A_558, %get3A_559] : memref<8x64x512xf32, #tpu.memory_space<vmem>>, vector<1x64x128xf32>
    %get3A_561 = vector.shape_cast %get3A_560 : vector<1x64x128xf32> to vector<64x128xf32>
    %dot_general3A_562 = arith.constant dense<0.000000e+00> : vector<64x128xf32>
    %dot_general3A_563 = tpu.matmul %get3A_552, %get3A_561, %dot_general3A_562 {dimension_numbers = #tpu.dot_dimension_numbers<[1], [0], [0], [1], [0, 0, 1, 1], [], []>, transpose_lhs_hint = false} : vector<64x64xf32>, vector<64x128xf32>, vector<64x128xf32> -> vector<64x128xf32>
    %mul3A_564 = arith.mulf %get3A_561, %get3A_561 : vector<64x128xf32>
    %reduce_sum3A_565 = arith.constant dense<0.000000e+00> : vector<128xf32>
    %reduce_sum3A_566 = vector.multi_reduction <add>, %mul3A_564, %reduce_sum3A_565 [0] : vector<64x128xf32> to vector<128xf32>
    %broadcast_in_dim3A_567 = vector.shape_cast %reduce_sum3A_566 : vector<128xf32> to vector<1x128xf32>
    %mul3A_568 = arith.constant 2.000000e+00 : f32
    %mul3A_569 = vector.broadcast %mul3A_568 : f32 to vector<64x128xf32>
    %mul3A_570 = arith.mulf %mul3A_569, %dot_general3A_563 : vector<64x128xf32>
    %sub3A_571 = vector.broadcast %broadcast_in_dim3A_556 : vector<64x1xf32> to vector<64x128xf32>
    %sub3A_572 = arith.subf %sub3A_571, %mul3A_570 : vector<64x128xf32>
    %add3A_573 = vector.broadcast %broadcast_in_dim3A_567 : vector<1x128xf32> to vector<64x128xf32>
    %add3A_574 = arith.addf %sub3A_572, %add3A_573 : vector<64x128xf32>
    %add3A_575 = arith.constant 0 : i32
    %add3A_576 = vector.broadcast %add3A_575 : i32 to vector<64x128xi32>
    %add3A_577 = arith.addi %iota3A, %add3A_576 : vector<64x128xi32>
    %get3A_578 = arith.constant 4 : index
    %get3A_579 = arith.constant 0 : index
    %get3A_580 = arith.constant 128 : index
    %get3A_581 = vector.load %arg2[%get3A_578, %get3A_579, %get3A_580] : memref<8x64x512xf32, #tpu.memory_space<vmem>>, vector<1x64x128xf32>
    %get3A_582 = vector.shape_cast %get3A_581 : vector<1x64x128xf32> to vector<64x128xf32>
    %dot_general3A_583 = arith.constant dense<0.000000e+00> : vector<64x128xf32>
    %dot_general3A_584 = tpu.matmul %get3A_552, %get3A_582, %dot_general3A_583 {dimension_numbers = #tpu.dot_dimension_numbers<[1], [0], [0], [1], [0, 0, 1, 1], [], []>, transpose_lhs_hint = false} : vector<64x64xf32>, vector<64x128xf32>, vector<64x128xf32> -> vector<64x128xf32>
    %mul3A_585 = arith.mulf %get3A_582, %get3A_582 : vector<64x128xf32>
    %reduce_sum3A_586 = arith.constant dense<0.000000e+00> : vector<128xf32>
    %reduce_sum3A_587 = vector.multi_reduction <add>, %mul3A_585, %reduce_sum3A_586 [0] : vector<64x128xf32> to vector<128xf32>
    %broadcast_in_dim3A_588 = vector.shape_cast %reduce_sum3A_587 : vector<128xf32> to vector<1x128xf32>
    %mul3A_589 = arith.constant 2.000000e+00 : f32
    %mul3A_590 = vector.broadcast %mul3A_589 : f32 to vector<64x128xf32>
    %mul3A_591 = arith.mulf %mul3A_590, %dot_general3A_584 : vector<64x128xf32>
    %sub3A_592 = vector.broadcast %broadcast_in_dim3A_556 : vector<64x1xf32> to vector<64x128xf32>
    %sub3A_593 = arith.subf %sub3A_592, %mul3A_591 : vector<64x128xf32>
    %add3A_594 = vector.broadcast %broadcast_in_dim3A_588 : vector<1x128xf32> to vector<64x128xf32>
    %add3A_595 = arith.addf %sub3A_593, %add3A_594 : vector<64x128xf32>
    %add3A_596 = arith.constant 128 : i32
    %add3A_597 = vector.broadcast %add3A_596 : i32 to vector<64x128xi32>
    %add3A_598 = arith.addi %iota3A, %add3A_597 : vector<64x128xi32>
    %lt3A_599 = arith.cmpf olt, %add3A_595, %add3A_574 : vector<64x128xf32>
    %select_n3A_600 = arith.select %lt3A_599, %add3A_595, %add3A_574 : vector<64x128xi1>, vector<64x128xf32>
    %select_n3A_601 = arith.select %lt3A_599, %add3A_598, %add3A_577 : vector<64x128xi1>, vector<64x128xi32>
    %get3A_602 = arith.constant 4 : index
    %get3A_603 = arith.constant 0 : index
    %get3A_604 = arith.constant 256 : index
    %get3A_605 = vector.load %arg2[%get3A_602, %get3A_603, %get3A_604] : memref<8x64x512xf32, #tpu.memory_space<vmem>>, vector<1x64x128xf32>
    %get3A_606 = vector.shape_cast %get3A_605 : vector<1x64x128xf32> to vector<64x128xf32>
    %dot_general3A_607 = arith.constant dense<0.000000e+00> : vector<64x128xf32>
    %dot_general3A_608 = tpu.matmul %get3A_552, %get3A_606, %dot_general3A_607 {dimension_numbers = #tpu.dot_dimension_numbers<[1], [0], [0], [1], [0, 0, 1, 1], [], []>, transpose_lhs_hint = false} : vector<64x64xf32>, vector<64x128xf32>, vector<64x128xf32> -> vector<64x128xf32>
    %mul3A_609 = arith.mulf %get3A_606, %get3A_606 : vector<64x128xf32>
    %reduce_sum3A_610 = arith.constant dense<0.000000e+00> : vector<128xf32>
    %reduce_sum3A_611 = vector.multi_reduction <add>, %mul3A_609, %reduce_sum3A_610 [0] : vector<64x128xf32> to vector<128xf32>
    %broadcast_in_dim3A_612 = vector.shape_cast %reduce_sum3A_611 : vector<128xf32> to vector<1x128xf32>
    %mul3A_613 = arith.constant 2.000000e+00 : f32
    %mul3A_614 = vector.broadcast %mul3A_613 : f32 to vector<64x128xf32>
    %mul3A_615 = arith.mulf %mul3A_614, %dot_general3A_608 : vector<64x128xf32>
    %sub3A_616 = vector.broadcast %broadcast_in_dim3A_556 : vector<64x1xf32> to vector<64x128xf32>
    %sub3A_617 = arith.subf %sub3A_616, %mul3A_615 : vector<64x128xf32>
    %add3A_618 = vector.broadcast %broadcast_in_dim3A_612 : vector<1x128xf32> to vector<64x128xf32>
    %add3A_619 = arith.addf %sub3A_617, %add3A_618 : vector<64x128xf32>
    %add3A_620 = arith.constant 256 : i32
    %add3A_621 = vector.broadcast %add3A_620 : i32 to vector<64x128xi32>
    %add3A_622 = arith.addi %iota3A, %add3A_621 : vector<64x128xi32>
    %lt3A_623 = arith.cmpf olt, %add3A_619, %select_n3A_600 : vector<64x128xf32>
    %select_n3A_624 = arith.select %lt3A_623, %add3A_619, %select_n3A_600 : vector<64x128xi1>, vector<64x128xf32>
    %select_n3A_625 = arith.select %lt3A_623, %add3A_622, %select_n3A_601 : vector<64x128xi1>, vector<64x128xi32>
    %get3A_626 = arith.constant 4 : index
    %get3A_627 = arith.constant 0 : index
    %get3A_628 = arith.constant 384 : index
    %get3A_629 = vector.load %arg2[%get3A_626, %get3A_627, %get3A_628] : memref<8x64x512xf32, #tpu.memory_space<vmem>>, vector<1x64x128xf32>
    %get3A_630 = vector.shape_cast %get3A_629 : vector<1x64x128xf32> to vector<64x128xf32>
    %dot_general3A_631 = arith.constant dense<0.000000e+00> : vector<64x128xf32>
    %dot_general3A_632 = tpu.matmul %get3A_552, %get3A_630, %dot_general3A_631 {dimension_numbers = #tpu.dot_dimension_numbers<[1], [0], [0], [1], [0, 0, 1, 1], [], []>, transpose_lhs_hint = false} : vector<64x64xf32>, vector<64x128xf32>, vector<64x128xf32> -> vector<64x128xf32>
    %mul3A_633 = arith.mulf %get3A_630, %get3A_630 : vector<64x128xf32>
    %reduce_sum3A_634 = arith.constant dense<0.000000e+00> : vector<128xf32>
    %reduce_sum3A_635 = vector.multi_reduction <add>, %mul3A_633, %reduce_sum3A_634 [0] : vector<64x128xf32> to vector<128xf32>
    %broadcast_in_dim3A_636 = vector.shape_cast %reduce_sum3A_635 : vector<128xf32> to vector<1x128xf32>
    %mul3A_637 = arith.constant 2.000000e+00 : f32
    %mul3A_638 = vector.broadcast %mul3A_637 : f32 to vector<64x128xf32>
    %mul3A_639 = arith.mulf %mul3A_638, %dot_general3A_632 : vector<64x128xf32>
    %sub3A_640 = vector.broadcast %broadcast_in_dim3A_556 : vector<64x1xf32> to vector<64x128xf32>
    %sub3A_641 = arith.subf %sub3A_640, %mul3A_639 : vector<64x128xf32>
    %add3A_642 = vector.broadcast %broadcast_in_dim3A_636 : vector<1x128xf32> to vector<64x128xf32>
    %add3A_643 = arith.addf %sub3A_641, %add3A_642 : vector<64x128xf32>
    %add3A_644 = arith.constant 384 : i32
    %add3A_645 = vector.broadcast %add3A_644 : i32 to vector<64x128xi32>
    %add3A_646 = arith.addi %iota3A, %add3A_645 : vector<64x128xi32>
    %lt3A_647 = arith.cmpf olt, %add3A_643, %select_n3A_624 : vector<64x128xf32>
    %select_n3A_648 = arith.select %lt3A_647, %add3A_643, %select_n3A_624 : vector<64x128xi1>, vector<64x128xf32>
    %select_n3A_649 = arith.select %lt3A_647, %add3A_646, %select_n3A_625 : vector<64x128xi1>, vector<64x128xi32>
    %reduce_min3A_650 = arith.constant dense<0x7F800000> : vector<64xf32>
    %reduce_min3A_651 = vector.multi_reduction <minimumf>, %select_n3A_648, %reduce_min3A_650 [1] : vector<64x128xf32> to vector<64xf32>
    %broadcast_in_dim3A_652 = vector.shape_cast %reduce_min3A_651 : vector<64xf32> to vector<64x1xf32>
    %eq3A_653 = vector.broadcast %broadcast_in_dim3A_652 : vector<64x1xf32> to vector<64x128xf32>
    %eq3A_654 = arith.cmpf oeq, %select_n3A_648, %eq3A_653 : vector<64x128xf32>
    %jit3A_655 = arith.constant 512 : i32
    %broadcast_in_dim3A_656 = vector.broadcast %jit3A_655 : i32 to vector<64x128xi32>
    %select_n3A_657 = arith.select %eq3A_654, %select_n3A_649, %broadcast_in_dim3A_656 : vector<64x128xi1>, vector<64x128xi32>
    %reduce_min3A_658 = arith.constant dense<2147483647> : vector<64xi32>
    %reduce_min3A_659 = vector.multi_reduction <minsi>, %select_n3A_657, %reduce_min3A_658 [1] : vector<64x128xi32> to vector<64xi32>
    %swap3A_660 = arith.constant 4 : index
    %swap3A_661 = arith.constant 0 : index
    %swap3A_662 = vector.load %arg4[%swap3A_660, %swap3A_661] : memref<8x64xi32, #tpu.memory_space<vmem>>, vector<1x64xi32>
    %swap3A_663 = vector.shape_cast %swap3A_662 : vector<1x64xi32> to vector<64xi32>
    %swap3A_664 = vector.shape_cast %reduce_min3A_659 : vector<64xi32> to vector<1x64xi32>
    tpu.vector_store %arg4[%swap3A_660, %swap3A_661], %swap3A_664 {strides = array<i32>} : memref<8x64xi32, #tpu.memory_space<vmem>>, vector<1x64xi32>,
    %add3A_665 = arith.addf %add3A_526, %broadcast_in_dim3A_652 : vector<64x1xf32>
    %iota3A_666 = tpu.iota {dimensions = array<i32: 1>} : vector<64x512xi32>
    %broadcast_in_dim3A_667 = vector.shape_cast %reduce_min3A_659 : vector<64xi32> to vector<64x1xi32>
    %eq3A_668 = vector.broadcast %broadcast_in_dim3A_667 : vector<64x1xi32> to vector<64x512xi32>
    %eq3A_669 = arith.cmpi eq, %iota3A_666, %eq3A_668 : vector<64x512xi32>
    %convert_element_type3A_670 = arith.extui %eq3A_669 : vector<64x512xi1> to vector<64x512xi32>
    %convert_element_type3A_671 = arith.sitofp %convert_element_type3A_670 : vector<64x512xi32> to vector<64x512xf32>
    %get3A_672 = arith.constant 4 : index
    %get3A_673 = arith.constant 0 : index
    %get3A_674 = arith.constant 0 : index
    %get3A_675 = vector.load %arg2[%get3A_672, %get3A_673, %get3A_674] : memref<8x64x512xf32, #tpu.memory_space<vmem>>, vector<1x64x512xf32>
    %get3A_676 = vector.shape_cast %get3A_675 : vector<1x64x512xf32> to vector<64x512xf32>
    %dot_general3A_677 = arith.constant dense<0.000000e+00> : vector<64x64xf32>
    %dot_general3A_678 = tpu.matmul %convert_element_type3A_671, %get3A_676, %dot_general3A_677 {dimension_numbers = #tpu.dot_dimension_numbers<[1], [1], [0], [0], [0, 0, 1, 0], [], []>, transpose_lhs_hint = false} : vector<64x512xf32>, vector<64x512xf32>, vector<64x64xf32> -> vector<64x64xf32>
    %sub3A_679 = arith.subf %dot_general3A_678, %get3A_552 : vector<64x64xf32>
    %add3A_680 = arith.addf %get3A_552, %sub3A_679 : vector<64x64xf32>
    %swap3A_681 = arith.constant 4 : index
    %swap3A_682 = arith.constant 0 : index
    %swap3A_683 = arith.constant 0 : index
    %swap3A_684 = vector.load %arg3[%swap3A_681, %swap3A_682, %swap3A_683] : memref<8x64x64xf32, #tpu.memory_space<vmem>>, vector<1x64x64xf32>
    %swap3A_685 = vector.shape_cast %swap3A_684 : vector<1x64x64xf32> to vector<64x64xf32>
    %swap3A_686 = vector.shape_cast %add3A_680 : vector<64x64xf32> to vector<1x64x64xf32>
    tpu.vector_store %arg3[%swap3A_681, %swap3A_682, %swap3A_683], %swap3A_686 {strides = array<i32>} : memref<8x64x64xf32, #tpu.memory_space<vmem>>, vector<1x64x64xf32>,
    %get3A_687 = arith.constant 5 : index
    %get3A_688 = arith.constant 0 : index
    %get3A_689 = arith.constant 0 : index
    %get3A_690 = vector.load %arg1[%get3A_687, %get3A_688, %get3A_689] : memref<8x64x64xf32, #tpu.memory_space<vmem>>, vector<1x64x64xf32>
    %get3A_691 = vector.shape_cast %get3A_690 : vector<1x64x64xf32> to vector<64x64xf32>
    %mul3A_692 = arith.mulf %get3A_691, %get3A_691 : vector<64x64xf32>
    %reduce_sum3A_693 = arith.constant dense<0.000000e+00> : vector<64xf32>
    %reduce_sum3A_694 = vector.multi_reduction <add>, %mul3A_692, %reduce_sum3A_693 [1] : vector<64x64xf32> to vector<64xf32>
    %broadcast_in_dim3A_695 = vector.shape_cast %reduce_sum3A_694 : vector<64xf32> to vector<64x1xf32>
    %get3A_696 = arith.constant 5 : index
    %get3A_697 = arith.constant 0 : index
    %get3A_698 = arith.constant 0 : index
    %get3A_699 = vector.load %arg2[%get3A_696, %get3A_697, %get3A_698] : memref<8x64x512xf32, #tpu.memory_space<vmem>>, vector<1x64x128xf32>
    %get3A_700 = vector.shape_cast %get3A_699 : vector<1x64x128xf32> to vector<64x128xf32>
    %dot_general3A_701 = arith.constant dense<0.000000e+00> : vector<64x128xf32>
    %dot_general3A_702 = tpu.matmul %get3A_691, %get3A_700, %dot_general3A_701 {dimension_numbers = #tpu.dot_dimension_numbers<[1], [0], [0], [1], [0, 0, 1, 1], [], []>, transpose_lhs_hint = false} : vector<64x64xf32>, vector<64x128xf32>, vector<64x128xf32> -> vector<64x128xf32>
    %mul3A_703 = arith.mulf %get3A_700, %get3A_700 : vector<64x128xf32>
    %reduce_sum3A_704 = arith.constant dense<0.000000e+00> : vector<128xf32>
    %reduce_sum3A_705 = vector.multi_reduction <add>, %mul3A_703, %reduce_sum3A_704 [0] : vector<64x128xf32> to vector<128xf32>
    %broadcast_in_dim3A_706 = vector.shape_cast %reduce_sum3A_705 : vector<128xf32> to vector<1x128xf32>
    %mul3A_707 = arith.constant 2.000000e+00 : f32
    %mul3A_708 = vector.broadcast %mul3A_707 : f32 to vector<64x128xf32>
    %mul3A_709 = arith.mulf %mul3A_708, %dot_general3A_702 : vector<64x128xf32>
    %sub3A_710 = vector.broadcast %broadcast_in_dim3A_695 : vector<64x1xf32> to vector<64x128xf32>
    %sub3A_711 = arith.subf %sub3A_710, %mul3A_709 : vector<64x128xf32>
    %add3A_712 = vector.broadcast %broadcast_in_dim3A_706 : vector<1x128xf32> to vector<64x128xf32>
    %add3A_713 = arith.addf %sub3A_711, %add3A_712 : vector<64x128xf32>
    %add3A_714 = arith.constant 0 : i32
    %add3A_715 = vector.broadcast %add3A_714 : i32 to vector<64x128xi32>
    %add3A_716 = arith.addi %iota3A, %add3A_715 : vector<64x128xi32>
    %get3A_717 = arith.constant 5 : index
    %get3A_718 = arith.constant 0 : index
    %get3A_719 = arith.constant 128 : index
    %get3A_720 = vector.load %arg2[%get3A_717, %get3A_718, %get3A_719] : memref<8x64x512xf32, #tpu.memory_space<vmem>>, vector<1x64x128xf32>
    %get3A_721 = vector.shape_cast %get3A_720 : vector<1x64x128xf32> to vector<64x128xf32>
    %dot_general3A_722 = arith.constant dense<0.000000e+00> : vector<64x128xf32>
    %dot_general3A_723 = tpu.matmul %get3A_691, %get3A_721, %dot_general3A_722 {dimension_numbers = #tpu.dot_dimension_numbers<[1], [0], [0], [1], [0, 0, 1, 1], [], []>, transpose_lhs_hint = false} : vector<64x64xf32>, vector<64x128xf32>, vector<64x128xf32> -> vector<64x128xf32>
    %mul3A_724 = arith.mulf %get3A_721, %get3A_721 : vector<64x128xf32>
    %reduce_sum3A_725 = arith.constant dense<0.000000e+00> : vector<128xf32>
    %reduce_sum3A_726 = vector.multi_reduction <add>, %mul3A_724, %reduce_sum3A_725 [0] : vector<64x128xf32> to vector<128xf32>
    %broadcast_in_dim3A_727 = vector.shape_cast %reduce_sum3A_726 : vector<128xf32> to vector<1x128xf32>
    %mul3A_728 = arith.constant 2.000000e+00 : f32
    %mul3A_729 = vector.broadcast %mul3A_728 : f32 to vector<64x128xf32>
    %mul3A_730 = arith.mulf %mul3A_729, %dot_general3A_723 : vector<64x128xf32>
    %sub3A_731 = vector.broadcast %broadcast_in_dim3A_695 : vector<64x1xf32> to vector<64x128xf32>
    %sub3A_732 = arith.subf %sub3A_731, %mul3A_730 : vector<64x128xf32>
    %add3A_733 = vector.broadcast %broadcast_in_dim3A_727 : vector<1x128xf32> to vector<64x128xf32>
    %add3A_734 = arith.addf %sub3A_732, %add3A_733 : vector<64x128xf32>
    %add3A_735 = arith.constant 128 : i32
    %add3A_736 = vector.broadcast %add3A_735 : i32 to vector<64x128xi32>
    %add3A_737 = arith.addi %iota3A, %add3A_736 : vector<64x128xi32>
    %lt3A_738 = arith.cmpf olt, %add3A_734, %add3A_713 : vector<64x128xf32>
    %select_n3A_739 = arith.select %lt3A_738, %add3A_734, %add3A_713 : vector<64x128xi1>, vector<64x128xf32>
    %select_n3A_740 = arith.select %lt3A_738, %add3A_737, %add3A_716 : vector<64x128xi1>, vector<64x128xi32>
    %get3A_741 = arith.constant 5 : index
    %get3A_742 = arith.constant 0 : index
    %get3A_743 = arith.constant 256 : index
    %get3A_744 = vector.load %arg2[%get3A_741, %get3A_742, %get3A_743] : memref<8x64x512xf32, #tpu.memory_space<vmem>>, vector<1x64x128xf32>
    %get3A_745 = vector.shape_cast %get3A_744 : vector<1x64x128xf32> to vector<64x128xf32>
    %dot_general3A_746 = arith.constant dense<0.000000e+00> : vector<64x128xf32>
    %dot_general3A_747 = tpu.matmul %get3A_691, %get3A_745, %dot_general3A_746 {dimension_numbers = #tpu.dot_dimension_numbers<[1], [0], [0], [1], [0, 0, 1, 1], [], []>, transpose_lhs_hint = false} : vector<64x64xf32>, vector<64x128xf32>, vector<64x128xf32> -> vector<64x128xf32>
    %mul3A_748 = arith.mulf %get3A_745, %get3A_745 : vector<64x128xf32>
    %reduce_sum3A_749 = arith.constant dense<0.000000e+00> : vector<128xf32>
    %reduce_sum3A_750 = vector.multi_reduction <add>, %mul3A_748, %reduce_sum3A_749 [0] : vector<64x128xf32> to vector<128xf32>
    %broadcast_in_dim3A_751 = vector.shape_cast %reduce_sum3A_750 : vector<128xf32> to vector<1x128xf32>
    %mul3A_752 = arith.constant 2.000000e+00 : f32
    %mul3A_753 = vector.broadcast %mul3A_752 : f32 to vector<64x128xf32>
    %mul3A_754 = arith.mulf %mul3A_753, %dot_general3A_747 : vector<64x128xf32>
    %sub3A_755 = vector.broadcast %broadcast_in_dim3A_695 : vector<64x1xf32> to vector<64x128xf32>
    %sub3A_756 = arith.subf %sub3A_755, %mul3A_754 : vector<64x128xf32>
    %add3A_757 = vector.broadcast %broadcast_in_dim3A_751 : vector<1x128xf32> to vector<64x128xf32>
    %add3A_758 = arith.addf %sub3A_756, %add3A_757 : vector<64x128xf32>
    %add3A_759 = arith.constant 256 : i32
    %add3A_760 = vector.broadcast %add3A_759 : i32 to vector<64x128xi32>
    %add3A_761 = arith.addi %iota3A, %add3A_760 : vector<64x128xi32>
    %lt3A_762 = arith.cmpf olt, %add3A_758, %select_n3A_739 : vector<64x128xf32>
    %select_n3A_763 = arith.select %lt3A_762, %add3A_758, %select_n3A_739 : vector<64x128xi1>, vector<64x128xf32>
    %select_n3A_764 = arith.select %lt3A_762, %add3A_761, %select_n3A_740 : vector<64x128xi1>, vector<64x128xi32>
    %get3A_765 = arith.constant 5 : index
    %get3A_766 = arith.constant 0 : index
    %get3A_767 = arith.constant 384 : index
    %get3A_768 = vector.load %arg2[%get3A_765, %get3A_766, %get3A_767] : memref<8x64x512xf32, #tpu.memory_space<vmem>>, vector<1x64x128xf32>
    %get3A_769 = vector.shape_cast %get3A_768 : vector<1x64x128xf32> to vector<64x128xf32>
    %dot_general3A_770 = arith.constant dense<0.000000e+00> : vector<64x128xf32>
    %dot_general3A_771 = tpu.matmul %get3A_691, %get3A_769, %dot_general3A_770 {dimension_numbers = #tpu.dot_dimension_numbers<[1], [0], [0], [1], [0, 0, 1, 1], [], []>, transpose_lhs_hint = false} : vector<64x64xf32>, vector<64x128xf32>, vector<64x128xf32> -> vector<64x128xf32>
    %mul3A_772 = arith.mulf %get3A_769, %get3A_769 : vector<64x128xf32>
    %reduce_sum3A_773 = arith.constant dense<0.000000e+00> : vector<128xf32>
    %reduce_sum3A_774 = vector.multi_reduction <add>, %mul3A_772, %reduce_sum3A_773 [0] : vector<64x128xf32> to vector<128xf32>
    %broadcast_in_dim3A_775 = vector.shape_cast %reduce_sum3A_774 : vector<128xf32> to vector<1x128xf32>
    %mul3A_776 = arith.constant 2.000000e+00 : f32
    %mul3A_777 = vector.broadcast %mul3A_776 : f32 to vector<64x128xf32>
    %mul3A_778 = arith.mulf %mul3A_777, %dot_general3A_771 : vector<64x128xf32>
    %sub3A_779 = vector.broadcast %broadcast_in_dim3A_695 : vector<64x1xf32> to vector<64x128xf32>
    %sub3A_780 = arith.subf %sub3A_779, %mul3A_778 : vector<64x128xf32>
    %add3A_781 = vector.broadcast %broadcast_in_dim3A_775 : vector<1x128xf32> to vector<64x128xf32>
    %add3A_782 = arith.addf %sub3A_780, %add3A_781 : vector<64x128xf32>
    %add3A_783 = arith.constant 384 : i32
    %add3A_784 = vector.broadcast %add3A_783 : i32 to vector<64x128xi32>
    %add3A_785 = arith.addi %iota3A, %add3A_784 : vector<64x128xi32>
    %lt3A_786 = arith.cmpf olt, %add3A_782, %select_n3A_763 : vector<64x128xf32>
    %select_n3A_787 = arith.select %lt3A_786, %add3A_782, %select_n3A_763 : vector<64x128xi1>, vector<64x128xf32>
    %select_n3A_788 = arith.select %lt3A_786, %add3A_785, %select_n3A_764 : vector<64x128xi1>, vector<64x128xi32>
    %reduce_min3A_789 = arith.constant dense<0x7F800000> : vector<64xf32>
    %reduce_min3A_790 = vector.multi_reduction <minimumf>, %select_n3A_787, %reduce_min3A_789 [1] : vector<64x128xf32> to vector<64xf32>
    %broadcast_in_dim3A_791 = vector.shape_cast %reduce_min3A_790 : vector<64xf32> to vector<64x1xf32>
    %eq3A_792 = vector.broadcast %broadcast_in_dim3A_791 : vector<64x1xf32> to vector<64x128xf32>
    %eq3A_793 = arith.cmpf oeq, %select_n3A_787, %eq3A_792 : vector<64x128xf32>
    %jit3A_794 = arith.constant 512 : i32
    %broadcast_in_dim3A_795 = vector.broadcast %jit3A_794 : i32 to vector<64x128xi32>
    %select_n3A_796 = arith.select %eq3A_793, %select_n3A_788, %broadcast_in_dim3A_795 : vector<64x128xi1>, vector<64x128xi32>
    %reduce_min3A_797 = arith.constant dense<2147483647> : vector<64xi32>
    %reduce_min3A_798 = vector.multi_reduction <minsi>, %select_n3A_796, %reduce_min3A_797 [1] : vector<64x128xi32> to vector<64xi32>
    %swap3A_799 = arith.constant 5 : index
    %swap3A_800 = arith.constant 0 : index
    %swap3A_801 = vector.load %arg4[%swap3A_799, %swap3A_800] : memref<8x64xi32, #tpu.memory_space<vmem>>, vector<1x64xi32>
    %swap3A_802 = vector.shape_cast %swap3A_801 : vector<1x64xi32> to vector<64xi32>
    %swap3A_803 = vector.shape_cast %reduce_min3A_798 : vector<64xi32> to vector<1x64xi32>
    tpu.vector_store %arg4[%swap3A_799, %swap3A_800], %swap3A_803 {strides = array<i32>} : memref<8x64xi32, #tpu.memory_space<vmem>>, vector<1x64xi32>,
    %add3A_804 = arith.addf %add3A_665, %broadcast_in_dim3A_791 : vector<64x1xf32>
    %iota3A_805 = tpu.iota {dimensions = array<i32: 1>} : vector<64x512xi32>
    %broadcast_in_dim3A_806 = vector.shape_cast %reduce_min3A_798 : vector<64xi32> to vector<64x1xi32>
    %eq3A_807 = vector.broadcast %broadcast_in_dim3A_806 : vector<64x1xi32> to vector<64x512xi32>
    %eq3A_808 = arith.cmpi eq, %iota3A_805, %eq3A_807 : vector<64x512xi32>
    %convert_element_type3A_809 = arith.extui %eq3A_808 : vector<64x512xi1> to vector<64x512xi32>
    %convert_element_type3A_810 = arith.sitofp %convert_element_type3A_809 : vector<64x512xi32> to vector<64x512xf32>
    %get3A_811 = arith.constant 5 : index
    %get3A_812 = arith.constant 0 : index
    %get3A_813 = arith.constant 0 : index
    %get3A_814 = vector.load %arg2[%get3A_811, %get3A_812, %get3A_813] : memref<8x64x512xf32, #tpu.memory_space<vmem>>, vector<1x64x512xf32>
    %get3A_815 = vector.shape_cast %get3A_814 : vector<1x64x512xf32> to vector<64x512xf32>
    %dot_general3A_816 = arith.constant dense<0.000000e+00> : vector<64x64xf32>
    %dot_general3A_817 = tpu.matmul %convert_element_type3A_810, %get3A_815, %dot_general3A_816 {dimension_numbers = #tpu.dot_dimension_numbers<[1], [1], [0], [0], [0, 0, 1, 0], [], []>, transpose_lhs_hint = false} : vector<64x512xf32>, vector<64x512xf32>, vector<64x64xf32> -> vector<64x64xf32>
    %sub3A_818 = arith.subf %dot_general3A_817, %get3A_691 : vector<64x64xf32>
    %add3A_819 = arith.addf %get3A_691, %sub3A_818 : vector<64x64xf32>
    %swap3A_820 = arith.constant 5 : index
    %swap3A_821 = arith.constant 0 : index
    %swap3A_822 = arith.constant 0 : index
    %swap3A_823 = vector.load %arg3[%swap3A_820, %swap3A_821, %swap3A_822] : memref<8x64x64xf32, #tpu.memory_space<vmem>>, vector<1x64x64xf32>
    %swap3A_824 = vector.shape_cast %swap3A_823 : vector<1x64x64xf32> to vector<64x64xf32>
    %swap3A_825 = vector.shape_cast %add3A_819 : vector<64x64xf32> to vector<1x64x64xf32>
    tpu.vector_store %arg3[%swap3A_820, %swap3A_821, %swap3A_822], %swap3A_825 {strides = array<i32>} : memref<8x64x64xf32, #tpu.memory_space<vmem>>, vector<1x64x64xf32>,
    %get3A_826 = arith.constant 6 : index
    %get3A_827 = arith.constant 0 : index
    %get3A_828 = arith.constant 0 : index
    %get3A_829 = vector.load %arg1[%get3A_826, %get3A_827, %get3A_828] : memref<8x64x64xf32, #tpu.memory_space<vmem>>, vector<1x64x64xf32>
    %get3A_830 = vector.shape_cast %get3A_829 : vector<1x64x64xf32> to vector<64x64xf32>
    %mul3A_831 = arith.mulf %get3A_830, %get3A_830 : vector<64x64xf32>
    %reduce_sum3A_832 = arith.constant dense<0.000000e+00> : vector<64xf32>
    %reduce_sum3A_833 = vector.multi_reduction <add>, %mul3A_831, %reduce_sum3A_832 [1] : vector<64x64xf32> to vector<64xf32>
    %broadcast_in_dim3A_834 = vector.shape_cast %reduce_sum3A_833 : vector<64xf32> to vector<64x1xf32>
    %get3A_835 = arith.constant 6 : index
    %get3A_836 = arith.constant 0 : index
    %get3A_837 = arith.constant 0 : index
    %get3A_838 = vector.load %arg2[%get3A_835, %get3A_836, %get3A_837] : memref<8x64x512xf32, #tpu.memory_space<vmem>>, vector<1x64x128xf32>
    %get3A_839 = vector.shape_cast %get3A_838 : vector<1x64x128xf32> to vector<64x128xf32>
    %dot_general3A_840 = arith.constant dense<0.000000e+00> : vector<64x128xf32>
    %dot_general3A_841 = tpu.matmul %get3A_830, %get3A_839, %dot_general3A_840 {dimension_numbers = #tpu.dot_dimension_numbers<[1], [0], [0], [1], [0, 0, 1, 1], [], []>, transpose_lhs_hint = false} : vector<64x64xf32>, vector<64x128xf32>, vector<64x128xf32> -> vector<64x128xf32>
    %mul3A_842 = arith.mulf %get3A_839, %get3A_839 : vector<64x128xf32>
    %reduce_sum3A_843 = arith.constant dense<0.000000e+00> : vector<128xf32>
    %reduce_sum3A_844 = vector.multi_reduction <add>, %mul3A_842, %reduce_sum3A_843 [0] : vector<64x128xf32> to vector<128xf32>
    %broadcast_in_dim3A_845 = vector.shape_cast %reduce_sum3A_844 : vector<128xf32> to vector<1x128xf32>
    %mul3A_846 = arith.constant 2.000000e+00 : f32
    %mul3A_847 = vector.broadcast %mul3A_846 : f32 to vector<64x128xf32>
    %mul3A_848 = arith.mulf %mul3A_847, %dot_general3A_841 : vector<64x128xf32>
    %sub3A_849 = vector.broadcast %broadcast_in_dim3A_834 : vector<64x1xf32> to vector<64x128xf32>
    %sub3A_850 = arith.subf %sub3A_849, %mul3A_848 : vector<64x128xf32>
    %add3A_851 = vector.broadcast %broadcast_in_dim3A_845 : vector<1x128xf32> to vector<64x128xf32>
    %add3A_852 = arith.addf %sub3A_850, %add3A_851 : vector<64x128xf32>
    %add3A_853 = arith.constant 0 : i32
    %add3A_854 = vector.broadcast %add3A_853 : i32 to vector<64x128xi32>
    %add3A_855 = arith.addi %iota3A, %add3A_854 : vector<64x128xi32>
    %get3A_856 = arith.constant 6 : index
    %get3A_857 = arith.constant 0 : index
    %get3A_858 = arith.constant 128 : index
    %get3A_859 = vector.load %arg2[%get3A_856, %get3A_857, %get3A_858] : memref<8x64x512xf32, #tpu.memory_space<vmem>>, vector<1x64x128xf32>
    %get3A_860 = vector.shape_cast %get3A_859 : vector<1x64x128xf32> to vector<64x128xf32>
    %dot_general3A_861 = arith.constant dense<0.000000e+00> : vector<64x128xf32>
    %dot_general3A_862 = tpu.matmul %get3A_830, %get3A_860, %dot_general3A_861 {dimension_numbers = #tpu.dot_dimension_numbers<[1], [0], [0], [1], [0, 0, 1, 1], [], []>, transpose_lhs_hint = false} : vector<64x64xf32>, vector<64x128xf32>, vector<64x128xf32> -> vector<64x128xf32>
    %mul3A_863 = arith.mulf %get3A_860, %get3A_860 : vector<64x128xf32>
    %reduce_sum3A_864 = arith.constant dense<0.000000e+00> : vector<128xf32>
    %reduce_sum3A_865 = vector.multi_reduction <add>, %mul3A_863, %reduce_sum3A_864 [0] : vector<64x128xf32> to vector<128xf32>
    %broadcast_in_dim3A_866 = vector.shape_cast %reduce_sum3A_865 : vector<128xf32> to vector<1x128xf32>
    %mul3A_867 = arith.constant 2.000000e+00 : f32
    %mul3A_868 = vector.broadcast %mul3A_867 : f32 to vector<64x128xf32>
    %mul3A_869 = arith.mulf %mul3A_868, %dot_general3A_862 : vector<64x128xf32>
    %sub3A_870 = vector.broadcast %broadcast_in_dim3A_834 : vector<64x1xf32> to vector<64x128xf32>
    %sub3A_871 = arith.subf %sub3A_870, %mul3A_869 : vector<64x128xf32>
    %add3A_872 = vector.broadcast %broadcast_in_dim3A_866 : vector<1x128xf32> to vector<64x128xf32>
    %add3A_873 = arith.addf %sub3A_871, %add3A_872 : vector<64x128xf32>
    %add3A_874 = arith.constant 128 : i32
    %add3A_875 = vector.broadcast %add3A_874 : i32 to vector<64x128xi32>
    %add3A_876 = arith.addi %iota3A, %add3A_875 : vector<64x128xi32>
    %lt3A_877 = arith.cmpf olt, %add3A_873, %add3A_852 : vector<64x128xf32>
    %select_n3A_878 = arith.select %lt3A_877, %add3A_873, %add3A_852 : vector<64x128xi1>, vector<64x128xf32>
    %select_n3A_879 = arith.select %lt3A_877, %add3A_876, %add3A_855 : vector<64x128xi1>, vector<64x128xi32>
    %get3A_880 = arith.constant 6 : index
    %get3A_881 = arith.constant 0 : index
    %get3A_882 = arith.constant 256 : index
    %get3A_883 = vector.load %arg2[%get3A_880, %get3A_881, %get3A_882] : memref<8x64x512xf32, #tpu.memory_space<vmem>>, vector<1x64x128xf32>
    %get3A_884 = vector.shape_cast %get3A_883 : vector<1x64x128xf32> to vector<64x128xf32>
    %dot_general3A_885 = arith.constant dense<0.000000e+00> : vector<64x128xf32>
    %dot_general3A_886 = tpu.matmul %get3A_830, %get3A_884, %dot_general3A_885 {dimension_numbers = #tpu.dot_dimension_numbers<[1], [0], [0], [1], [0, 0, 1, 1], [], []>, transpose_lhs_hint = false} : vector<64x64xf32>, vector<64x128xf32>, vector<64x128xf32> -> vector<64x128xf32>
    %mul3A_887 = arith.mulf %get3A_884, %get3A_884 : vector<64x128xf32>
    %reduce_sum3A_888 = arith.constant dense<0.000000e+00> : vector<128xf32>
    %reduce_sum3A_889 = vector.multi_reduction <add>, %mul3A_887, %reduce_sum3A_888 [0] : vector<64x128xf32> to vector<128xf32>
    %broadcast_in_dim3A_890 = vector.shape_cast %reduce_sum3A_889 : vector<128xf32> to vector<1x128xf32>
    %mul3A_891 = arith.constant 2.000000e+00 : f32
    %mul3A_892 = vector.broadcast %mul3A_891 : f32 to vector<64x128xf32>
    %mul3A_893 = arith.mulf %mul3A_892, %dot_general3A_886 : vector<64x128xf32>
    %sub3A_894 = vector.broadcast %broadcast_in_dim3A_834 : vector<64x1xf32> to vector<64x128xf32>
    %sub3A_895 = arith.subf %sub3A_894, %mul3A_893 : vector<64x128xf32>
    %add3A_896 = vector.broadcast %broadcast_in_dim3A_890 : vector<1x128xf32> to vector<64x128xf32>
    %add3A_897 = arith.addf %sub3A_895, %add3A_896 : vector<64x128xf32>
    %add3A_898 = arith.constant 256 : i32
    %add3A_899 = vector.broadcast %add3A_898 : i32 to vector<64x128xi32>
    %add3A_900 = arith.addi %iota3A, %add3A_899 : vector<64x128xi32>
    %lt3A_901 = arith.cmpf olt, %add3A_897, %select_n3A_878 : vector<64x128xf32>
    %select_n3A_902 = arith.select %lt3A_901, %add3A_897, %select_n3A_878 : vector<64x128xi1>, vector<64x128xf32>
    %select_n3A_903 = arith.select %lt3A_901, %add3A_900, %select_n3A_879 : vector<64x128xi1>, vector<64x128xi32>
    %get3A_904 = arith.constant 6 : index
    %get3A_905 = arith.constant 0 : index
    %get3A_906 = arith.constant 384 : index
    %get3A_907 = vector.load %arg2[%get3A_904, %get3A_905, %get3A_906] : memref<8x64x512xf32, #tpu.memory_space<vmem>>, vector<1x64x128xf32>
    %get3A_908 = vector.shape_cast %get3A_907 : vector<1x64x128xf32> to vector<64x128xf32>
    %dot_general3A_909 = arith.constant dense<0.000000e+00> : vector<64x128xf32>
    %dot_general3A_910 = tpu.matmul %get3A_830, %get3A_908, %dot_general3A_909 {dimension_numbers = #tpu.dot_dimension_numbers<[1], [0], [0], [1], [0, 0, 1, 1], [], []>, transpose_lhs_hint = false} : vector<64x64xf32>, vector<64x128xf32>, vector<64x128xf32> -> vector<64x128xf32>
    %mul3A_911 = arith.mulf %get3A_908, %get3A_908 : vector<64x128xf32>
    %reduce_sum3A_912 = arith.constant dense<0.000000e+00> : vector<128xf32>
    %reduce_sum3A_913 = vector.multi_reduction <add>, %mul3A_911, %reduce_sum3A_912 [0] : vector<64x128xf32> to vector<128xf32>
    %broadcast_in_dim3A_914 = vector.shape_cast %reduce_sum3A_913 : vector<128xf32> to vector<1x128xf32>
    %mul3A_915 = arith.constant 2.000000e+00 : f32
    %mul3A_916 = vector.broadcast %mul3A_915 : f32 to vector<64x128xf32>
    %mul3A_917 = arith.mulf %mul3A_916, %dot_general3A_910 : vector<64x128xf32>
    %sub3A_918 = vector.broadcast %broadcast_in_dim3A_834 : vector<64x1xf32> to vector<64x128xf32>
    %sub3A_919 = arith.subf %sub3A_918, %mul3A_917 : vector<64x128xf32>
    %add3A_920 = vector.broadcast %broadcast_in_dim3A_914 : vector<1x128xf32> to vector<64x128xf32>
    %add3A_921 = arith.addf %sub3A_919, %add3A_920 : vector<64x128xf32>
    %add3A_922 = arith.constant 384 : i32
    %add3A_923 = vector.broadcast %add3A_922 : i32 to vector<64x128xi32>
    %add3A_924 = arith.addi %iota3A, %add3A_923 : vector<64x128xi32>
    %lt3A_925 = arith.cmpf olt, %add3A_921, %select_n3A_902 : vector<64x128xf32>
    %select_n3A_926 = arith.select %lt3A_925, %add3A_921, %select_n3A_902 : vector<64x128xi1>, vector<64x128xf32>
    %select_n3A_927 = arith.select %lt3A_925, %add3A_924, %select_n3A_903 : vector<64x128xi1>, vector<64x128xi32>
    %reduce_min3A_928 = arith.constant dense<0x7F800000> : vector<64xf32>
    %reduce_min3A_929 = vector.multi_reduction <minimumf>, %select_n3A_926, %reduce_min3A_928 [1] : vector<64x128xf32> to vector<64xf32>
    %broadcast_in_dim3A_930 = vector.shape_cast %reduce_min3A_929 : vector<64xf32> to vector<64x1xf32>
    %eq3A_931 = vector.broadcast %broadcast_in_dim3A_930 : vector<64x1xf32> to vector<64x128xf32>
    %eq3A_932 = arith.cmpf oeq, %select_n3A_926, %eq3A_931 : vector<64x128xf32>
    %jit3A_933 = arith.constant 512 : i32
    %broadcast_in_dim3A_934 = vector.broadcast %jit3A_933 : i32 to vector<64x128xi32>
    %select_n3A_935 = arith.select %eq3A_932, %select_n3A_927, %broadcast_in_dim3A_934 : vector<64x128xi1>, vector<64x128xi32>
    %reduce_min3A_936 = arith.constant dense<2147483647> : vector<64xi32>
    %reduce_min3A_937 = vector.multi_reduction <minsi>, %select_n3A_935, %reduce_min3A_936 [1] : vector<64x128xi32> to vector<64xi32>
    %swap3A_938 = arith.constant 6 : index
    %swap3A_939 = arith.constant 0 : index
    %swap3A_940 = vector.load %arg4[%swap3A_938, %swap3A_939] : memref<8x64xi32, #tpu.memory_space<vmem>>, vector<1x64xi32>
    %swap3A_941 = vector.shape_cast %swap3A_940 : vector<1x64xi32> to vector<64xi32>
    %swap3A_942 = vector.shape_cast %reduce_min3A_937 : vector<64xi32> to vector<1x64xi32>
    tpu.vector_store %arg4[%swap3A_938, %swap3A_939], %swap3A_942 {strides = array<i32>} : memref<8x64xi32, #tpu.memory_space<vmem>>, vector<1x64xi32>,
    %add3A_943 = arith.addf %add3A_804, %broadcast_in_dim3A_930 : vector<64x1xf32>
    %iota3A_944 = tpu.iota {dimensions = array<i32: 1>} : vector<64x512xi32>
    %broadcast_in_dim3A_945 = vector.shape_cast %reduce_min3A_937 : vector<64xi32> to vector<64x1xi32>
    %eq3A_946 = vector.broadcast %broadcast_in_dim3A_945 : vector<64x1xi32> to vector<64x512xi32>
    %eq3A_947 = arith.cmpi eq, %iota3A_944, %eq3A_946 : vector<64x512xi32>
    %convert_element_type3A_948 = arith.extui %eq3A_947 : vector<64x512xi1> to vector<64x512xi32>
    %convert_element_type3A_949 = arith.sitofp %convert_element_type3A_948 : vector<64x512xi32> to vector<64x512xf32>
    %get3A_950 = arith.constant 6 : index
    %get3A_951 = arith.constant 0 : index
    %get3A_952 = arith.constant 0 : index
    %get3A_953 = vector.load %arg2[%get3A_950, %get3A_951, %get3A_952] : memref<8x64x512xf32, #tpu.memory_space<vmem>>, vector<1x64x512xf32>
    %get3A_954 = vector.shape_cast %get3A_953 : vector<1x64x512xf32> to vector<64x512xf32>
    %dot_general3A_955 = arith.constant dense<0.000000e+00> : vector<64x64xf32>
    %dot_general3A_956 = tpu.matmul %convert_element_type3A_949, %get3A_954, %dot_general3A_955 {dimension_numbers = #tpu.dot_dimension_numbers<[1], [1], [0], [0], [0, 0, 1, 0], [], []>, transpose_lhs_hint = false} : vector<64x512xf32>, vector<64x512xf32>, vector<64x64xf32> -> vector<64x64xf32>
    %sub3A_957 = arith.subf %dot_general3A_956, %get3A_830 : vector<64x64xf32>
    %add3A_958 = arith.addf %get3A_830, %sub3A_957 : vector<64x64xf32>
    %swap3A_959 = arith.constant 6 : index
    %swap3A_960 = arith.constant 0 : index
    %swap3A_961 = arith.constant 0 : index
    %swap3A_962 = vector.load %arg3[%swap3A_959, %swap3A_960, %swap3A_961] : memref<8x64x64xf32, #tpu.memory_space<vmem>>, vector<1x64x64xf32>
    %swap3A_963 = vector.shape_cast %swap3A_962 : vector<1x64x64xf32> to vector<64x64xf32>
    %swap3A_964 = vector.shape_cast %add3A_958 : vector<64x64xf32> to vector<1x64x64xf32>
    tpu.vector_store %arg3[%swap3A_959, %swap3A_960, %swap3A_961], %swap3A_964 {strides = array<i32>} : memref<8x64x64xf32, #tpu.memory_space<vmem>>, vector<1x64x64xf32>,
    %get3A_965 = arith.constant 7 : index
    %get3A_966 = arith.constant 0 : index
    %get3A_967 = arith.constant 0 : index
    %get3A_968 = vector.load %arg1[%get3A_965, %get3A_966, %get3A_967] : memref<8x64x64xf32, #tpu.memory_space<vmem>>, vector<1x64x64xf32>
    %get3A_969 = vector.shape_cast %get3A_968 : vector<1x64x64xf32> to vector<64x64xf32>
    %mul3A_970 = arith.mulf %get3A_969, %get3A_969 : vector<64x64xf32>
    %reduce_sum3A_971 = arith.constant dense<0.000000e+00> : vector<64xf32>
    %reduce_sum3A_972 = vector.multi_reduction <add>, %mul3A_970, %reduce_sum3A_971 [1] : vector<64x64xf32> to vector<64xf32>
    %broadcast_in_dim3A_973 = vector.shape_cast %reduce_sum3A_972 : vector<64xf32> to vector<64x1xf32>
    %get3A_974 = arith.constant 7 : index
    %get3A_975 = arith.constant 0 : index
    %get3A_976 = arith.constant 0 : index
    %get3A_977 = vector.load %arg2[%get3A_974, %get3A_975, %get3A_976] : memref<8x64x512xf32, #tpu.memory_space<vmem>>, vector<1x64x128xf32>
    %get3A_978 = vector.shape_cast %get3A_977 : vector<1x64x128xf32> to vector<64x128xf32>
    %dot_general3A_979 = arith.constant dense<0.000000e+00> : vector<64x128xf32>
    %dot_general3A_980 = tpu.matmul %get3A_969, %get3A_978, %dot_general3A_979 {dimension_numbers = #tpu.dot_dimension_numbers<[1], [0], [0], [1], [0, 0, 1, 1], [], []>, transpose_lhs_hint = false} : vector<64x64xf32>, vector<64x128xf32>, vector<64x128xf32> -> vector<64x128xf32>
    %mul3A_981 = arith.mulf %get3A_978, %get3A_978 : vector<64x128xf32>
    %reduce_sum3A_982 = arith.constant dense<0.000000e+00> : vector<128xf32>
    %reduce_sum3A_983 = vector.multi_reduction <add>, %mul3A_981, %reduce_sum3A_982 [0] : vector<64x128xf32> to vector<128xf32>
    %broadcast_in_dim3A_984 = vector.shape_cast %reduce_sum3A_983 : vector<128xf32> to vector<1x128xf32>
    %mul3A_985 = arith.constant 2.000000e+00 : f32
    %mul3A_986 = vector.broadcast %mul3A_985 : f32 to vector<64x128xf32>
    %mul3A_987 = arith.mulf %mul3A_986, %dot_general3A_980 : vector<64x128xf32>
    %sub3A_988 = vector.broadcast %broadcast_in_dim3A_973 : vector<64x1xf32> to vector<64x128xf32>
    %sub3A_989 = arith.subf %sub3A_988, %mul3A_987 : vector<64x128xf32>
    %add3A_990 = vector.broadcast %broadcast_in_dim3A_984 : vector<1x128xf32> to vector<64x128xf32>
    %add3A_991 = arith.addf %sub3A_989, %add3A_990 : vector<64x128xf32>
    %add3A_992 = arith.constant 0 : i32
    %add3A_993 = vector.broadcast %add3A_992 : i32 to vector<64x128xi32>
    %add3A_994 = arith.addi %iota3A, %add3A_993 : vector<64x128xi32>
    %get3A_995 = arith.constant 7 : index
    %get3A_996 = arith.constant 0 : index
    %get3A_997 = arith.constant 128 : index
    %get3A_998 = vector.load %arg2[%get3A_995, %get3A_996, %get3A_997] : memref<8x64x512xf32, #tpu.memory_space<vmem>>, vector<1x64x128xf32>
    %get3A_999 = vector.shape_cast %get3A_998 : vector<1x64x128xf32> to vector<64x128xf32>
    %dot_general3A_1000 = arith.constant dense<0.000000e+00> : vector<64x128xf32>
    %dot_general3A_1001 = tpu.matmul %get3A_969, %get3A_999, %dot_general3A_1000 {dimension_numbers = #tpu.dot_dimension_numbers<[1], [0], [0], [1], [0, 0, 1, 1], [], []>, transpose_lhs_hint = false} : vector<64x64xf32>, vector<64x128xf32>, vector<64x128xf32> -> vector<64x128xf32>
    %mul3A_1002 = arith.mulf %get3A_999, %get3A_999 : vector<64x128xf32>
    %reduce_sum3A_1003 = arith.constant dense<0.000000e+00> : vector<128xf32>
    %reduce_sum3A_1004 = vector.multi_reduction <add>, %mul3A_1002, %reduce_sum3A_1003 [0] : vector<64x128xf32> to vector<128xf32>
    %broadcast_in_dim3A_1005 = vector.shape_cast %reduce_sum3A_1004 : vector<128xf32> to vector<1x128xf32>
    %mul3A_1006 = arith.constant 2.000000e+00 : f32
    %mul3A_1007 = vector.broadcast %mul3A_1006 : f32 to vector<64x128xf32>
    %mul3A_1008 = arith.mulf %mul3A_1007, %dot_general3A_1001 : vector<64x128xf32>
    %sub3A_1009 = vector.broadcast %broadcast_in_dim3A_973 : vector<64x1xf32> to vector<64x128xf32>
    %sub3A_1010 = arith.subf %sub3A_1009, %mul3A_1008 : vector<64x128xf32>
    %add3A_1011 = vector.broadcast %broadcast_in_dim3A_1005 : vector<1x128xf32> to vector<64x128xf32>
    %add3A_1012 = arith.addf %sub3A_1010, %add3A_1011 : vector<64x128xf32>
    %add3A_1013 = arith.constant 128 : i32
    %add3A_1014 = vector.broadcast %add3A_1013 : i32 to vector<64x128xi32>
    %add3A_1015 = arith.addi %iota3A, %add3A_1014 : vector<64x128xi32>
    %lt3A_1016 = arith.cmpf olt, %add3A_1012, %add3A_991 : vector<64x128xf32>
    %select_n3A_1017 = arith.select %lt3A_1016, %add3A_1012, %add3A_991 : vector<64x128xi1>, vector<64x128xf32>
    %select_n3A_1018 = arith.select %lt3A_1016, %add3A_1015, %add3A_994 : vector<64x128xi1>, vector<64x128xi32>
    %get3A_1019 = arith.constant 7 : index
    %get3A_1020 = arith.constant 0 : index
    %get3A_1021 = arith.constant 256 : index
    %get3A_1022 = vector.load %arg2[%get3A_1019, %get3A_1020, %get3A_1021] : memref<8x64x512xf32, #tpu.memory_space<vmem>>, vector<1x64x128xf32>
    %get3A_1023 = vector.shape_cast %get3A_1022 : vector<1x64x128xf32> to vector<64x128xf32>
    %dot_general3A_1024 = arith.constant dense<0.000000e+00> : vector<64x128xf32>
    %dot_general3A_1025 = tpu.matmul %get3A_969, %get3A_1023, %dot_general3A_1024 {dimension_numbers = #tpu.dot_dimension_numbers<[1], [0], [0], [1], [0, 0, 1, 1], [], []>, transpose_lhs_hint = false} : vector<64x64xf32>, vector<64x128xf32>, vector<64x128xf32> -> vector<64x128xf32>
    %mul3A_1026 = arith.mulf %get3A_1023, %get3A_1023 : vector<64x128xf32>
    %reduce_sum3A_1027 = arith.constant dense<0.000000e+00> : vector<128xf32>
    %reduce_sum3A_1028 = vector.multi_reduction <add>, %mul3A_1026, %reduce_sum3A_1027 [0] : vector<64x128xf32> to vector<128xf32>
    %broadcast_in_dim3A_1029 = vector.shape_cast %reduce_sum3A_1028 : vector<128xf32> to vector<1x128xf32>
    %mul3A_1030 = arith.constant 2.000000e+00 : f32
    %mul3A_1031 = vector.broadcast %mul3A_1030 : f32 to vector<64x128xf32>
    %mul3A_1032 = arith.mulf %mul3A_1031, %dot_general3A_1025 : vector<64x128xf32>
    %sub3A_1033 = vector.broadcast %broadcast_in_dim3A_973 : vector<64x1xf32> to vector<64x128xf32>
    %sub3A_1034 = arith.subf %sub3A_1033, %mul3A_1032 : vector<64x128xf32>
    %add3A_1035 = vector.broadcast %broadcast_in_dim3A_1029 : vector<1x128xf32> to vector<64x128xf32>
    %add3A_1036 = arith.addf %sub3A_1034, %add3A_1035 : vector<64x128xf32>
    %add3A_1037 = arith.constant 256 : i32
    %add3A_1038 = vector.broadcast %add3A_1037 : i32 to vector<64x128xi32>
    %add3A_1039 = arith.addi %iota3A, %add3A_1038 : vector<64x128xi32>
    %lt3A_1040 = arith.cmpf olt, %add3A_1036, %select_n3A_1017 : vector<64x128xf32>
    %select_n3A_1041 = arith.select %lt3A_1040, %add3A_1036, %select_n3A_1017 : vector<64x128xi1>, vector<64x128xf32>
    %select_n3A_1042 = arith.select %lt3A_1040, %add3A_1039, %select_n3A_1018 : vector<64x128xi1>, vector<64x128xi32>
    %get3A_1043 = arith.constant 7 : index
    %get3A_1044 = arith.constant 0 : index
    %get3A_1045 = arith.constant 384 : index
    %get3A_1046 = vector.load %arg2[%get3A_1043, %get3A_1044, %get3A_1045] : memref<8x64x512xf32, #tpu.memory_space<vmem>>, vector<1x64x128xf32>
    %get3A_1047 = vector.shape_cast %get3A_1046 : vector<1x64x128xf32> to vector<64x128xf32>
    %dot_general3A_1048 = arith.constant dense<0.000000e+00> : vector<64x128xf32>
    %dot_general3A_1049 = tpu.matmul %get3A_969, %get3A_1047, %dot_general3A_1048 {dimension_numbers = #tpu.dot_dimension_numbers<[1], [0], [0], [1], [0, 0, 1, 1], [], []>, transpose_lhs_hint = false} : vector<64x64xf32>, vector<64x128xf32>, vector<64x128xf32> -> vector<64x128xf32>
    %mul3A_1050 = arith.mulf %get3A_1047, %get3A_1047 : vector<64x128xf32>
    %reduce_sum3A_1051 = arith.constant dense<0.000000e+00> : vector<128xf32>
    %reduce_sum3A_1052 = vector.multi_reduction <add>, %mul3A_1050, %reduce_sum3A_1051 [0] : vector<64x128xf32> to vector<128xf32>
    %broadcast_in_dim3A_1053 = vector.shape_cast %reduce_sum3A_1052 : vector<128xf32> to vector<1x128xf32>
    %mul3A_1054 = arith.constant 2.000000e+00 : f32
    %mul3A_1055 = vector.broadcast %mul3A_1054 : f32 to vector<64x128xf32>
    %mul3A_1056 = arith.mulf %mul3A_1055, %dot_general3A_1049 : vector<64x128xf32>
    %sub3A_1057 = vector.broadcast %broadcast_in_dim3A_973 : vector<64x1xf32> to vector<64x128xf32>
    %sub3A_1058 = arith.subf %sub3A_1057, %mul3A_1056 : vector<64x128xf32>
    %add3A_1059 = vector.broadcast %broadcast_in_dim3A_1053 : vector<1x128xf32> to vector<64x128xf32>
    %add3A_1060 = arith.addf %sub3A_1058, %add3A_1059 : vector<64x128xf32>
    %add3A_1061 = arith.constant 384 : i32
    %add3A_1062 = vector.broadcast %add3A_1061 : i32 to vector<64x128xi32>
    %add3A_1063 = arith.addi %iota3A, %add3A_1062 : vector<64x128xi32>
    %lt3A_1064 = arith.cmpf olt, %add3A_1060, %select_n3A_1041 : vector<64x128xf32>
    %select_n3A_1065 = arith.select %lt3A_1064, %add3A_1060, %select_n3A_1041 : vector<64x128xi1>, vector<64x128xf32>
    %select_n3A_1066 = arith.select %lt3A_1064, %add3A_1063, %select_n3A_1042 : vector<64x128xi1>, vector<64x128xi32>
    %reduce_min3A_1067 = arith.constant dense<0x7F800000> : vector<64xf32>
    %reduce_min3A_1068 = vector.multi_reduction <minimumf>, %select_n3A_1065, %reduce_min3A_1067 [1] : vector<64x128xf32> to vector<64xf32>
    %broadcast_in_dim3A_1069 = vector.shape_cast %reduce_min3A_1068 : vector<64xf32> to vector<64x1xf32>
    %eq3A_1070 = vector.broadcast %broadcast_in_dim3A_1069 : vector<64x1xf32> to vector<64x128xf32>
    %eq3A_1071 = arith.cmpf oeq, %select_n3A_1065, %eq3A_1070 : vector<64x128xf32>
    %jit3A_1072 = arith.constant 512 : i32
    %broadcast_in_dim3A_1073 = vector.broadcast %jit3A_1072 : i32 to vector<64x128xi32>
    %select_n3A_1074 = arith.select %eq3A_1071, %select_n3A_1066, %broadcast_in_dim3A_1073 : vector<64x128xi1>, vector<64x128xi32>
    %reduce_min3A_1075 = arith.constant dense<2147483647> : vector<64xi32>
    %reduce_min3A_1076 = vector.multi_reduction <minsi>, %select_n3A_1074, %reduce_min3A_1075 [1] : vector<64x128xi32> to vector<64xi32>
    %swap3A_1077 = arith.constant 7 : index
    %swap3A_1078 = arith.constant 0 : index
    %swap3A_1079 = vector.load %arg4[%swap3A_1077, %swap3A_1078] : memref<8x64xi32, #tpu.memory_space<vmem>>, vector<1x64xi32>
    %swap3A_1080 = vector.shape_cast %swap3A_1079 : vector<1x64xi32> to vector<64xi32>
    %swap3A_1081 = vector.shape_cast %reduce_min3A_1076 : vector<64xi32> to vector<1x64xi32>
    tpu.vector_store %arg4[%swap3A_1077, %swap3A_1078], %swap3A_1081 {strides = array<i32>} : memref<8x64xi32, #tpu.memory_space<vmem>>, vector<1x64xi32>,
    %add3A_1082 = arith.addf %add3A_943, %broadcast_in_dim3A_1069 : vector<64x1xf32>
    %iota3A_1083 = tpu.iota {dimensions = array<i32: 1>} : vector<64x512xi32>
    %broadcast_in_dim3A_1084 = vector.shape_cast %reduce_min3A_1076 : vector<64xi32> to vector<64x1xi32>
    %eq3A_1085 = vector.broadcast %broadcast_in_dim3A_1084 : vector<64x1xi32> to vector<64x512xi32>
    %eq3A_1086 = arith.cmpi eq, %iota3A_1083, %eq3A_1085 : vector<64x512xi32>
    %convert_element_type3A_1087 = arith.extui %eq3A_1086 : vector<64x512xi1> to vector<64x512xi32>
    %convert_element_type3A_1088 = arith.sitofp %convert_element_type3A_1087 : vector<64x512xi32> to vector<64x512xf32>
    %get3A_1089 = arith.constant 7 : index
    %get3A_1090 = arith.constant 0 : index
    %get3A_1091 = arith.constant 0 : index
    %get3A_1092 = vector.load %arg2[%get3A_1089, %get3A_1090, %get3A_1091] : memref<8x64x512xf32, #tpu.memory_space<vmem>>, vector<1x64x512xf32>
    %get3A_1093 = vector.shape_cast %get3A_1092 : vector<1x64x512xf32> to vector<64x512xf32>
    %dot_general3A_1094 = arith.constant dense<0.000000e+00> : vector<64x64xf32>
    %dot_general3A_1095 = tpu.matmul %convert_element_type3A_1088, %get3A_1093, %dot_general3A_1094 {dimension_numbers = #tpu.dot_dimension_numbers<[1], [1], [0], [0], [0, 0, 1, 0], [], []>, transpose_lhs_hint = false} : vector<64x512xf32>, vector<64x512xf32>, vector<64x64xf32> -> vector<64x64xf32>
    %sub3A_1096 = arith.subf %dot_general3A_1095, %get3A_969 : vector<64x64xf32>
    %add3A_1097 = arith.addf %get3A_969, %sub3A_1096 : vector<64x64xf32>
    %swap3A_1098 = arith.constant 7 : index
    %swap3A_1099 = arith.constant 0 : index
    %swap3A_1100 = arith.constant 0 : index
    %swap3A_1101 = vector.load %arg3[%swap3A_1098, %swap3A_1099, %swap3A_1100] : memref<8x64x64xf32, #tpu.memory_space<vmem>>, vector<1x64x64xf32>
    %swap3A_1102 = vector.shape_cast %swap3A_1101 : vector<1x64x64xf32> to vector<64x64xf32>
    %swap3A_1103 = vector.shape_cast %add3A_1097 : vector<64x64xf32> to vector<1x64x64xf32>
    tpu.vector_store %arg3[%swap3A_1098, %swap3A_1099, %swap3A_1100], %swap3A_1103 {strides = array<i32>} : memref<8x64x64xf32, #tpu.memory_space<vmem>>, vector<1x64x64xf32>,
    %get3A_1104 = arith.constant 0 : index
    %get3A_1105 = arith.constant 0 : index
    %get3A_1106 = memref.load %arg5[%get3A_1104, %get3A_1105] : memref<1x1xf32, #tpu.memory_space<smem>>
    %reduce_sum3A_1107 = vector.shape_cast %add3A_1082 : vector<64x1xf32> to vector<1x64x1xf32>
    %reduce_sum3A_1108 = arith.constant dense<0.000000e+00> : vector<1xf32>
    %reduce_sum3A_1109 = vector.multi_reduction <add>, %reduce_sum3A_1107, %reduce_sum3A_1108 [1, 2] : vector<1x64x1xf32> to vector<1xf32>
    %reduce_sum3A_1110 = vector.shape_cast %reduce_sum3A_1109 : vector<1xf32> to vector<1x1x1xf32>
    %reduce_sum3A_1111 = vector.extract %reduce_sum3A_1110[0, 0, 0] : f32 from vector<1x1x1xf32>
    %add3A_1112 = arith.addf %get3A_1106, %reduce_sum3A_1111 : f32
    %swap3A_1113 = arith.constant 0 : index
    %swap3A_1114 = arith.constant 0 : index
    %swap3A_1115 = memref.load %arg5[%swap3A_1113, %swap3A_1114] : memref<1x1xf32, #tpu.memory_space<smem>>
    memref.store %add3A_1112, %arg5[%swap3A_1113, %swap3A_1114] : memref<1x1xf32, #tpu.memory_space<smem>>
    return
  }
  func.func @transform_0(%arg0: i32) -> (i32, i32, i32) {
    %c0_i32 = arith.constant 0 : i32
    %c0_i32_0 = arith.constant 0 : i32
    %c0_i32_1 = arith.constant 0 : i32
    return %arg0, %c0_i32, %c0_i32_0 : i32, i32, i32
  }
  func.func @transform_1(%arg0: i32) -> (i32, i32, i32) {
    %c0_i32 = arith.constant 0 : i32
    %c0_i32_0 = arith.constant 0 : i32
    %c0_i32_1 = arith.constant 0 : i32
    return %arg0, %c0_i32, %c0_i32_0 : i32, i32, i32
  }
  func.func @transform_2(%arg0: i32) -> (i32, i32, i32) {
    %c0_i32 = arith.constant 0 : i32
    %c0_i32_0 = arith.constant 0 : i32
    %c0_i32_1 = arith.constant 0 : i32
    return %arg0, %c0_i32, %c0_i32_0 : i32, i32, i32
  }
  func.func @transform_3(%arg0: i32) -> (i32, i32) {
    %c0_i32 = arith.constant 0 : i32
    %c0_i32_0 = arith.constant 0 : i32
    return %arg0, %c0_i32 : i32, i32
  }
  func.func @transform_4(%arg0: i32) -> (i32, i32) {
    %c0_i32 = arith.constant 0 : i32
    %c0_i32_0 = arith.constant 0 : i32
    %c0_i32_1 = arith.constant 0 : i32
    return %c0_i32, %c0_i32_0 : i32, i32
  }
}

</mosaic_0001>

<sc_bundles>
// kernel: kernel.4.cloned.1.call-start
scs
__scs_entry_jumppad:
0x0: {  	(pc) =	sbr.rel $0x88, $3  }
0x1: {  	(tag) =	ssettag $0x0;
	lr =	simm.s32 $0x1  }
0x2: {  	[smem:$0x3F9F] =	sst lr;
	_ =	strace $0xD0000000  }
0x3: {  	_ = 	snop  }
0x4: {  	_ = 	snop  }
0x5: {  	_ = 	snop  }
0x6: {  	_ = 	snop  }
0x7: {  	_ = 	snop  }
__scs_overlays_trampoline_lowered:
0x8: {  	[smem:$0x3FAE] =	sst s0  }
0x9: {  	[smem:$0x3FAF] =	sst s1  }
0xa: {  	[smem:$0x3FB0] =	sst s2  }
0xb: {  	[smem:$0x3FB1] =	sst s3  }
0xc: {  	[smem:$0x3FB2] =	sst s4  }
0xd: {  	[smem:$0x3FB3] =	sst s5  }
0xe: {  	[smem:$0x3FB4] =	sst s6  }
0xf: {  	[smem:$0x3FB5] =	sst s7  }
0x10: {  	[smem:$0x3FB6] =	sst s8  }
0x11: {  	[smem:$0x3FB7] =	sst s9;
	s0 =	simm.s32 @!p0 $0x0  }
0x12: {  	s1 =	sld [smem:$0x3F9D];
	s0 =	simm.s32 @p0 $0x1  }
0x13: {  	[smem:$0x3FB8] =	sst s0;
	s0 =	simm.s32 @!p1 $0x0  }
0x14: {  	s2 =	sld [smem:$0x3F9C];
	s0 =	simm.s32 @p1 $0x1  }
0x15: {  	[smem:$0x3FB9] =	sst s0;
	s0 =	simm.s32 @!p2 $0x0  }
0x16: {  	s3 =	sld [smem:$0x3FDB];
	s0 =	simm.s32 @p2 $0x1  }
0x17: {  	s4 =	simm.s32 $0x1BF5;
	[smem:$0x3FBB] =	sst s0  }
0x18: {  	s0 =	sld [smem:$0x3F9E];
	_ =	swait.ge [sflag:s4], $0x0  }
0x19: {  	s7 =	sld [smem:$0x3F9F]  }
0x1a: {  	s8 =	sadd.s32 $0xFFFFE003, lr  }
0x1b: {  	s9 =	sadd.s32 $0xFFFFFEF7, lr;
	s5 =	simm.s32 $0xFFFFFFFF;
	p2 =	slt.u32 s8, $0xFFFFF086  }
0x1c: {  	p1 =	slt.u32 s9, $0xF7A;
	s5 =	simm.s32 @!p2 $0x0  }
0x1d: {  	s5 =	simm.s32 @p1 $0x1;
	p0 =	seq.s32 s7, s2  }
0x1e: {  	s7 =	smul.u32 @!p0 $0xF7A, s2;
	p2 =	seq.s32 @!p0 s5, $0x0  }
0x1f: {  	s9 =	smul.u32 $0xF7A, s1;
	s8 =	simm.s32 @!p0 $0x1BF5;
	p2 =	por !p2, p0  }
0x20: {  	[sflag:s8] =	ssyncset.s32 @!p0 $0xFFFFF086;
	s6 =	sadd.s32 @!p0 s3, s7;
	s7 =	simm.s32 @!p0 $0x108  }
0x21: {  	s3 =	sadd.s32 s3, s9;
	s6 =	sadd.s32 @!p0 $0x88, s6;
	s7 =	simm.s32 @p2 $0x1082  }
0x22: {  	[simem:s7], [sflag:s8] =	dma.local @!p0 [hbm:s6], $0xF7A  }
0x23: {  	s9 =	sor.u32 $0xD0000000, s2;
	s6 =	simm.s32 $0x108;
	_ =	swait.ge @!p0 [sflag:s8], $0x0  }
0x24: {  	s3 =	sadd.s32 $0x88, s3;
	s6 =	simm.s32 @!p1 $0x1082;
	[sflag:s4] =	ssyncset.s32 $0xFFFFF086  }
0x25: {  	[simem:s6], [sflag:s4] =	dma.local [hbm:s3], $0xF7A  }
0x26: {  	[smem:$0x3F9F] =	sst s1;
	(tag) =	ssettag s2;
	_ =	strace s9  }
0x27: {  	s1 =	sld [smem:$0x3FAF]  }
0x28: {  	s2 =	sld [smem:$0x3FB0]  }
0x29: {  	s4 =	sld [smem:$0x3FB2]  }
0x2a: {  	p0 =	seq.s32 s5, $0x0;
	s5 =	sld [smem:$0x3FB3]  }
0x2b: {  	s6 =	sld [smem:$0x3FB4]  }
0x2c: {  	s7 =	sld [smem:$0x3FB5]  }
0x2d: {  	s3 =	simm.s32 $0x108;
	s8 =	sld [smem:$0x3FB6]  }
0x2e: {  	s3 =	simm.s32 @!p0 $0x1082;
	s9 =	sld [smem:$0x3FB7]  }
0x2f: {  	lr =	sadd.s32 s0, s3;
	s0 =	sld [smem:$0x3FAE]  }
0x30: {  	s3 =	sld [smem:$0x3FB1]  }
0x31: {  	[smem:$0x3FBA] =	sst s10  }
0x32: {  	s10 =	sld [smem:$0x3FB8];
	_ =	sdelay $0x3  }
0x33: {  	p0 =	seq.s32 s10, $0x1;
	s10 =	sld [smem:$0x3FBA];
	_ =	sdelay $0x3  }
0x34: {  	[smem:$0x3FBA] =	sst s10  }
0x35: {  	s10 =	sld [smem:$0x3FB9];
	_ =	sdelay $0x3  }
0x36: {  	p1 =	seq.s32 s10, $0x1;
	s10 =	sld [smem:$0x3FBA];
	_ =	sdelay $0x3  }
0x37: {  	[smem:$0x3FBA] =	sst s10  }
0x38: {  	s10 =	sld [smem:$0x3FBB]  }
0x39: {  	_ = 	snop;
	(pc) =	sbr.ind lr, $3  }
0x3a: {  	_ = 	snop  }
0x3b: {  	_ = 	snop  }
0x3c: {  	p2 =	seq.s32 s10, $0x1;
	s10 =	sld [smem:$0x3FBA]  }
0x3d: {  	_ =	shalt  }
0x3e: {  	_ =	shalt  }
0x3f: {  	_ =	shalt  }
0x40: {  	_ =	shalt  }
0x41: {  	_ =	shalt  }
0x42: {  	_ =	shalt  }
0x43: {  	_ =	shalt  }
0x44: {  	_ =	shalt  }
0x45: {  	_ =	shalt  }
0x46: {  	_ =	shalt  }
0x47: {  	_ =	shalt  }
0x48: {  	_ =	shalt  }
0x49: {  	_ =	shalt  }
0x4a: {  	_ =	shalt  }
0x4b: {  	_ =	shalt  }
0x4c: {  	_ =	shalt  }
0x4d: {  	_ =	shalt  }
0x4e: {  	_ =	shalt  }
0x4f: {  	_ =	shalt  }
0x50: {  	_ =	shalt  }
0x51: {  	_ =	shalt  }
0x52: {  	_ =	shalt  }
0x53: {  	_ =	shalt  }
0x54: {  	_ =	shalt  }
0x55: {  	_ =	shalt  }
0x56: {  	_ =	shalt  }
0x57: {  	_ =	shalt  }
0x58: {  	_ =	shalt  }
0x59: {  	_ =	shalt  }
0x5a: {  	_ =	shalt  }
0x5b: {  	_ =	shalt  }
0x5c: {  	_ =	shalt  }
0x5d: {  	_ =	shalt  }
0x5e: {  	_ =	shalt  }
0x5f: {  	_ =	shalt  }
0x60: {  	_ =	shalt  }
0x61: {  	_ =	shalt  }
0x62: {  	_ =	shalt  }
0x63: {  	_ =	shalt  }
0x64: {  	_ =	shalt  }
0x65: {  	_ =	shalt  }
0x66: {  	_ =	shalt  }
0x67: {  	_ =	shalt  }
0x68: {  	_ =	shalt  }
0x69: {  	_ =	shalt  }
0x6a: {  	_ =	shalt  }
0x6b: {  	_ =	shalt  }
0x6c: {  	_ =	shalt  }
0x6d: {  	_ =	shalt  }
0x6e: {  	_ =	shalt  }
0x6f: {  	_ =	shalt  }
0x70: {  	_ =	shalt  }
0x71: {  	_ =	shalt  }
0x72: {  	_ =	shalt  }
0x73: {  	_ =	shalt  }
0x74: {  	_ =	shalt  }
0x75: {  	_ =	shalt  }
0x76: {  	_ =	shalt  }
0x77: {  	_ =	shalt  }
0x78: {  	_ =	shalt  }
0x79: {  	_ =	shalt  }
0x7a: {  	_ =	shalt  }
0x7b: {  	_ =	shalt  }
0x7c: {  	_ =	shalt  }
0x7d: {  	_ =	shalt  }
0x7e: {  	_ =	shalt  }
0x7f: {  	_ =	shalt  }
0x80: {  	_ =	shalt  }
0x81: {  	_ =	shalt  }
0x82: {  	_ =	shalt  }
0x83: {  	_ =	shalt  }
0x84: {  	_ =	shalt  }
0x85: {  	_ =	shalt  }
0x86: {  	_ =	shalt  }
0x87: {  	_ =	shalt  }
.Lfunc_end0:
.L_simem_size_0:
called_computation_lowered:
.L_overlay_start_0:
0x88: {  	s2 =	sld [smem:$0x3FD9]  }
0x89: {  	s3 =	sld [smem:$0x3FFE];
	_ =	sdelay $0x1  }
0x8a: {  	s1 =	srdreg.scid  }
0x8b: {  	s0 =	sand.u32 $0x1, s1  }
0x8c: {  	s16 =	sshll.u32 s0, $0xA;
	s2 =	sadd.s32 s3, s2  }
0x8d: {  	s2 =	sadd.s32 s2, s16  }
0x8e: {  	[smem:$0x3FC6] =	sst s2  }
0x8f: {  	_ = 	snop  }
0x90: {  	(tm) =	ssettm $0x1  }
0x91: {  	s17 =	sld [smem:$0x3FFB];
	_ =	sdelay $0x3  }
0x92: {  	_ =	strace s17  }
0x93: {  	s2 =	sld [smem:$0x3FFC];
	_ =	sdelay $0x3  }
0x94: {  	_ =	strace s2  }
0x95: {  	s2 =	sld [smem:$0x3FFD];
	_ =	sdelay $0x3  }
0x96: {  	_ =	strace s2  }
0x97: {  	_ =	strace $0x8FFFFFFF  }
0x98: {  	s18 =	sld [smem:$0x3FDB];
	_ =	sdelay $0x1  }
0x99: {  	s19 =	simm.s32 $_scs_section_size  }
0x9a: {  	s4 =	simm.s32 $_size__tile_overlayer_lowered;
	s5 =	simm.s32 $_tile_overlayer_lowered  }
0x9b: {  	s22 =	simm.s32 $0x1BFF;
	s21 =	sshll.u32 s5, $0x1;
	s2 =	sadd.s32 s19, s18  }
0x9c: {  	s6 =	simm.s32 $0x0;
	s20 =	sshll.u32 s4, $0x1;
	s4 =	sadd.s32 s21, s2  }
0x9d: {  	[timem:s6], [sflag:s22] =	dma.local [hbm:s4], s20  }
0x9e: {  	_ =	swait.ge [sflag:s22], s20  }
0x9f: {  	s3 =	ssub.s32 $0x0, s20;
	[sflag:s22] =	ssyncset.done $0x0  }
0xa0: {  	[sflag:s22] =	ssyncadd.s32 s3;
	_ =	sdelay $0x1  }
0xa1: {  	s23 =	simm.s32 $0x1B8B  }
0xa2: {  	_ =	swait.ge [sflag:s23], $0x1  }
0xa3: {  	[sflag:s23] =	ssyncset.done $0x0  }
0xa4: {  	s25 =	simm.s32 $0x1B8E;
	s24 =	sld [smem:$0x3FFE];
	[sflag:s23] =	ssyncadd.s32 $0xFFFFFFFF  }
0xa5: {  	s26 =	simm.s32 $execute0_lowered;
	[smem:$0x3FD2] =	sst s25  }
0xa6: {  	s4 =	sshll.u32 s26, $0x1;
	_ =	strace $0x80000046;
	[dreg:$0x1] =	wrdreg $0xFFFFFFFF  }
0xa7: {  	s28 =	simm.s32 $_size_execute0_lowered;
	s2 =	sadd.s32 s2, s4;
	[dreg:$0x0] =	wrdreg $0x0  }
0xa8: {  	s4 =	sshll.u32 s28, $0x1;
	[dreg:$0x2] =	wrdreg s2  }
0xa9: {  	[dreg:$0x3] =	wrdreg s4  }
0xaa: {  	[dreg:$0x4] =	wrdreg $0xC0  }
0xab: {  	_ =	task [dreg:s6], $0x5FFFF  }
0xac: {  	[dreg:$0x1] =	wrdreg $0xFFFFFFFF  }
0xad: {  	[dreg:$0x0] =	wrdreg $0x60  }
0xae: {  	[dreg:$0x2] =	wrdreg s24  }
0xaf: {  	[dreg:$0x3] =	wrdreg $0x9  }
0xb0: {  	_ =	task.clear_ibuf [dreg:s6], $0x4FFFF;
	_ =	strace $0x90000046  }
0xb1: {  	s29 =	simm.s32 $0x9;
	_ =	strace $0x80000048  }
0xb2: {  	_ =	swait.ge [sflag:s29], $0x1  }
0xb3: {  	[sflag:s29] =	ssyncadd.s32 $0xFFFFFFFF  }
0xb4: {  	_ =	strace $0x90000048  }
0xb5: {  	_ =	sfence  }
0xb6: {  	s30 =	sld [smem:$0x0];
	_ =	sdelay $0x2  }
0xb7: {  	s31 =	sshll.u32 s1, $0xD;
	s1 =	sshrl.u32 s1, $0x2  }
0xb8: {  	s3 =	sand.u32 $0x4000, s31;
	s1 =	sadd.s32 s1, s30  }
0xb9: {  	s0 =	sor.u32 s3, s0;
	s1 =	sshll.u32 s1, $0x11  }
0xba: {  	s0 =	sor.u32 s1, s0  }
0xbb: {  	s0 =	sadd.s32 $0x8F2B, s0  }
0xbc: {  	[sflag:s0] =	ssyncadd.remote.s32 $0x1  }
0xbd: {  	_ =	sfence.sel $0xFFFF  }
0xbe: {  	[dreg:$0x0] =	wrdreg $0xFFFFFFFF;
	(pc) =	sbr.abs _section_cstart, $3  }
0xbf: {  	[dreg:$0x1] =	wrdreg $0xFFFFFFFF  }
0xc0: {  	_ =	task.clear_ibuf [dreg:s6], $0x2FFFF;
	_ =	strace $0x9FFFFFFF  }
0xc1: {  	(tm) =	ssettm $0x7FFFFFFF  }
tec
execute0_lowered:
.L_overlay_start_1:
0x0: {  	(tag) =	ssettag $0x1  }
0x1: {  	s3 =	rddreg [dreg:$0x0]  }
0x2: {  	s0 =	rddreg [dreg:$0x1];
	s4 =	srdreg.scid  }
0x3: {  	s1 =	stileid.u32;
	s2 =	simm.s32 $0x0;
	s8 =	simm.s32 $0x1200  }
0x4: {  	s4 =	sand.u32 $0x1, s4;
	s5 =	sshll.u32 s1, $0x1;
	[smem:$0x7FF] =	sst s2  }
0x5: {  	s9 =	simm.s32 $0x0;
	s5 =	sor.u32 s4, s5;
	_ =	strace $0x80000047  }
0x6: {  	s4 =	ssub.s32 $0x2, s4;
	s6 =	sshll.u32 s5, $0x6;
	s5 =	sshll.u32 s5, $0x1  }
0x7: {  	s7 =	sshrl.u32 s4, $0x1;
	s6 =	sadd.s32 s6, s3;
	s5 =	sadd.s32 s5, s3  }
0x8: {  	s7 =	ssub.s32 s4, s7;
	s3 =	sadd.s32 $0x200, s6;
	s4 =	sadd.s32 $0xA00, s5  }
0x9: {  	v0 =	vimm.s32 $0x0;
	v1 =	vimm.s32 $0x1;
	s5 =	smax.u32 s7, $0x1;
	s6 =	simm.s32 $0x1;
	s7 =	simm.s32 $0x200  }
.LBB2_1:
0xa: {  	[tilespmem:s2], [sflag:$0x1] =	stream.linear.gather [hbm4b:s3+s2], $0x200, $0x38;
	[tilespmem:$0x1210] =	vst v63  }
0xb: {  	_ =	swait.ge [sflag:s6], $0x200  }
0xc: {  	[sflag:s6] =	ssyncset.done $0x0  }
0xd: {  	s10 =	simm.s32 $0x40;
	s11 =	simm.s32 $0x0;
	[sflag:s6] =	ssyncadd.s32 $0xFFFFFE00  }
.LBB2_2:
0xe: {  	p0 =	sne.s32 s10, $0x3FC0;
	[tilespmem:s11+$0x200] =	vst v0;
	s11 =	smov.u32 s10;
	s10 =	sadd.s32 $0x40, s10  }
.Ltmp0:
0xf: {  	(pc) =	sbr.rel @p0 .LBB2_2-.Ltmp0, $2  }
0x10: {  	_ =	sdelay $0x2  }
0x11: {  	s11 =	sshra.s32 s11, $0x2  }
0x12: {  	[tilespmem:s11+$0x200] =	vst v0  }
0x13: {  	v2 =	vld [tilespmem:$0x0];
	_ =	sdelay $0x7  }
0x14: {  	[tilespmem:v2+s7+$0x0] =	vst.idx.msk $0xffff, v1  }
0x15: {  	v2 =	vld [tilespmem:$0x10];
	_ =	sdelay $0x7  }
0x16: {  	[tilespmem:v2+s7+$0x0] =	vst.idx.msk $0xffff, v1  }
0x17: {  	v2 =	vld [tilespmem:$0x20];
	_ =	sdelay $0x7  }
0x18: {  	[tilespmem:v2+s7+$0x0] =	vst.idx.msk $0xffff, v1  }
0x19: {  	v2 =	vld [tilespmem:$0x30];
	_ =	sdelay $0x7  }
0x1a: {  	[tilespmem:v2+s7+$0x0] =	vst.idx.msk $0xffff, v1  }
0x1b: {  	v2 =	vld [tilespmem:$0x40];
	_ =	sdelay $0x4  }
0x1c: {  	v2 =	vadd.s32 $0x200, v2;
	_ =	sdelay $0x4  }
0x1d: {  	[tilespmem:v2+s7+$0x0] =	vst.idx.msk $0xffff, v1  }
0x1e: {  	v2 =	vld [tilespmem:$0x50];
	_ =	sdelay $0x4  }
0x1f: {  	v2 =	vadd.s32 $0x200, v2;
	_ =	sdelay $0x4  }
0x20: {  	[tilespmem:v2+s7+$0x0] =	vst.idx.msk $0xffff, v1  }
0x21: {  	v2 =	vld [tilespmem:$0x60];
	_ =	sdelay $0x4  }
0x22: {  	v2 =	vadd.s32 $0x200, v2;
	_ =	sdelay $0x4  }
0x23: {  	[tilespmem:v2+s7+$0x0] =	vst.idx.msk $0xffff, v1  }
0x24: {  	v2 =	vld [tilespmem:$0x70];
	_ =	sdelay $0x4  }
0x25: {  	v2 =	vadd.s32 $0x200, v2;
	_ =	sdelay $0x4  }
0x26: {  	[tilespmem:v2+s7+$0x0] =	vst.idx.msk $0xffff, v1  }
0x27: {  	v2 =	vld [tilespmem:$0x80];
	_ =	sdelay $0x4  }
0x28: {  	v2 =	vadd.s32 $0x400, v2;
	_ =	sdelay $0x4  }
0x29: {  	[tilespmem:v2+s7+$0x0] =	vst.idx.msk $0xffff, v1  }
0x2a: {  	v2 =	vld [tilespmem:$0x90];
	_ =	sdelay $0x4  }
0x2b: {  	v2 =	vadd.s32 $0x400, v2;
	_ =	sdelay $0x4  }
0x2c: {  	[tilespmem:v2+s7+$0x0] =	vst.idx.msk $0xffff, v1  }
0x2d: {  	v2 =	vld [tilespmem:$0xA0];
	_ =	sdelay $0x4  }
0x2e: {  	v2 =	vadd.s32 $0x400, v2;
	_ =	sdelay $0x4  }
0x2f: {  	[tilespmem:v2+s7+$0x0] =	vst.idx.msk $0xffff, v1  }
0x30: {  	v2 =	vld [tilespmem:$0xB0];
	_ =	sdelay $0x4  }
0x31: {  	v2 =	vadd.s32 $0x400, v2;
	_ =	sdelay $0x4  }
0x32: {  	[tilespmem:v2+s7+$0x0] =	vst.idx.msk $0xffff, v1  }
0x33: {  	v2 =	vld [tilespmem:$0xC0];
	_ =	sdelay $0x4  }
0x34: {  	v2 =	vadd.s32 $0x600, v2;
	_ =	sdelay $0x4  }
0x35: {  	[tilespmem:v2+s7+$0x0] =	vst.idx.msk $0xffff, v1  }
0x36: {  	v2 =	vld [tilespmem:$0xD0];
	_ =	sdelay $0x4  }
0x37: {  	v2 =	vadd.s32 $0x600, v2;
	_ =	sdelay $0x4  }
0x38: {  	[tilespmem:v2+s7+$0x0] =	vst.idx.msk $0xffff, v1  }
0x39: {  	v2 =	vld [tilespmem:$0xE0];
	_ =	sdelay $0x4  }
0x3a: {  	v2 =	vadd.s32 $0x600, v2;
	_ =	sdelay $0x4  }
0x3b: {  	[tilespmem:v2+s7+$0x0] =	vst.idx.msk $0xffff, v1  }
0x3c: {  	v2 =	vld [tilespmem:$0xF0];
	_ =	sdelay $0x4  }
0x3d: {  	v2 =	vadd.s32 $0x600, v2;
	_ =	sdelay $0x4  }
0x3e: {  	[tilespmem:v2+s7+$0x0] =	vst.idx.msk $0xffff, v1  }
0x3f: {  	v2 =	vld [tilespmem:$0x100];
	_ =	sdelay $0x4  }
0x40: {  	v2 =	vadd.s32 $0x800, v2;
	_ =	sdelay $0x4  }
0x41: {  	[tilespmem:v2+s7+$0x0] =	vst.idx.msk $0xffff, v1  }
0x42: {  	v2 =	vld [tilespmem:$0x110];
	_ =	sdelay $0x4  }
0x43: {  	v2 =	vadd.s32 $0x800, v2;
	_ =	sdelay $0x4  }
0x44: {  	[tilespmem:v2+s7+$0x0] =	vst.idx.msk $0xffff, v1  }
0x45: {  	v2 =	vld [tilespmem:$0x120];
	_ =	sdelay $0x4  }
0x46: {  	v2 =	vadd.s32 $0x800, v2;
	_ =	sdelay $0x4  }
0x47: {  	[tilespmem:v2+s7+$0x0] =	vst.idx.msk $0xffff, v1  }
0x48: {  	v2 =	vld [tilespmem:$0x130];
	_ =	sdelay $0x4  }
0x49: {  	v2 =	vadd.s32 $0x800, v2;
	_ =	sdelay $0x4  }
0x4a: {  	[tilespmem:v2+s7+$0x0] =	vst.idx.msk $0xffff, v1  }
0x4b: {  	v2 =	vld [tilespmem:$0x140];
	_ =	sdelay $0x4  }
0x4c: {  	v2 =	vadd.s32 $0xA00, v2;
	_ =	sdelay $0x4  }
0x4d: {  	[tilespmem:v2+s7+$0x0] =	vst.idx.msk $0xffff, v1  }
0x4e: {  	v2 =	vld [tilespmem:$0x150];
	_ =	sdelay $0x4  }
0x4f: {  	v2 =	vadd.s32 $0xA00, v2;
	_ =	sdelay $0x4  }
0x50: {  	[tilespmem:v2+s7+$0x0] =	vst.idx.msk $0xffff, v1  }
0x51: {  	v2 =	vld [tilespmem:$0x160];
	_ =	sdelay $0x4  }
0x52: {  	v2 =	vadd.s32 $0xA00, v2;
	_ =	sdelay $0x4  }
0x53: {  	[tilespmem:v2+s7+$0x0] =	vst.idx.msk $0xffff, v1  }
0x54: {  	v2 =	vld [tilespmem:$0x170];
	_ =	sdelay $0x4  }
0x55: {  	v2 =	vadd.s32 $0xA00, v2;
	_ =	sdelay $0x4  }
0x56: {  	[tilespmem:v2+s7+$0x0] =	vst.idx.msk $0xffff, v1  }
0x57: {  	v2 =	vld [tilespmem:$0x180];
	_ =	sdelay $0x4  }
0x58: {  	v2 =	vadd.s32 $0xC00, v2;
	_ =	sdelay $0x4  }
0x59: {  	[tilespmem:v2+s7+$0x0] =	vst.idx.msk $0xffff, v1  }
0x5a: {  	v2 =	vld [tilespmem:$0x190];
	_ =	sdelay $0x4  }
0x5b: {  	v2 =	vadd.s32 $0xC00, v2;
	_ =	sdelay $0x4  }
0x5c: {  	[tilespmem:v2+s7+$0x0] =	vst.idx.msk $0xffff, v1  }
0x5d: {  	v2 =	vld [tilespmem:$0x1A0];
	_ =	sdelay $0x4  }
0x5e: {  	v2 =	vadd.s32 $0xC00, v2;
	_ =	sdelay $0x4  }
0x5f: {  	[tilespmem:v2+s7+$0x0] =	vst.idx.msk $0xffff, v1  }
0x60: {  	v2 =	vld [tilespmem:$0x1B0];
	_ =	sdelay $0x4  }
0x61: {  	v2 =	vadd.s32 $0xC00, v2;
	_ =	sdelay $0x4  }
0x62: {  	[tilespmem:v2+s7+$0x0] =	vst.idx.msk $0xffff, v1  }
0x63: {  	v2 =	vld [tilespmem:$0x1C0];
	_ =	sdelay $0x4  }
0x64: {  	v2 =	vadd.s32 $0xE00, v2;
	_ =	sdelay $0x4  }
0x65: {  	[tilespmem:v2+s7+$0x0] =	vst.idx.msk $0xffff, v1  }
0x66: {  	v2 =	vld [tilespmem:$0x1D0];
	_ =	sdelay $0x4  }
0x67: {  	v2 =	vadd.s32 $0xE00, v2;
	_ =	sdelay $0x4  }
0x68: {  	[tilespmem:v2+s7+$0x0] =	vst.idx.msk $0xffff, v1  }
0x69: {  	v2 =	vld [tilespmem:$0x1E0];
	_ =	sdelay $0x4  }
0x6a: {  	v2 =	vadd.s32 $0xE00, v2;
	_ =	sdelay $0x4  }
0x6b: {  	[tilespmem:v2+s7+$0x0] =	vst.idx.msk $0xffff, v1  }
0x6c: {  	v2 =	vld [tilespmem:$0x1F0];
	_ =	sdelay $0x4  }
0x6d: {  	v2 =	vadd.s32 $0xE00, v2;
	_ =	sdelay $0x4  }
0x6e: {  	s31 =	simm.s32 $0x0;
	[tilespmem:v2+s7+$0x0] =	vst.idx.msk $0xffff, v1  }
0x6f: {  	s10 =	simm.s32 $0x40;
	v2 =	vimm.s32 $0x0;
	v3 =	vld [tilespmem:s31+$0x200]  }
.LBB2_4:
0x70: {  	p0 =	sne.s32 s10, $0x3FC0  }
.Ltmp1:
0x71: {  	_ = 	snop;
	(pc) =	sbr.rel @p0 .LBB2_4-.Ltmp1, $3  }
0x72: {  	_ =	sdelay $0x1  }
0x73: {  	s11 =	sshra.s32 s10, $0x2;
	s10 =	sadd.s32 $0x40, s10;
	v2 =	vadd.s32 v2, v3  }
0x74: {  	v3 =	vld [tilespmem:s11+$0x200]  }
0x75: {  	_ =	sdelay $0x2  }
0x76: {  	s9 =	sadd.s32 $0x1, s9  }
0x77: {  	p0 =	sne.s32 s9, s5;
	v2 =	vadd.s32 v2, v3  }
.Ltmp2:
0x78: {  	[tilespmem:$0x1200] =	vst v2;
	(pc) =	sbr.rel @p0 .LBB2_1-.Ltmp2, $4  }
0x79: {  	[hbm4b:s4+s2] =	stream.linear.scatter [tilespmem:s8], [sflag:$0x1], $0x10, $0x38;
	[tilespmem:$0x1210] =	vst v63  }
0x7a: {  	_ =	swait.ge [sflag:s6], $0x10  }
0x7b: {  	[sflag:s6] =	ssyncset.done $0x0  }
0x7c: {  	[sflag:s6] =	ssyncadd.s32 $0xFFFFFFF0  }
0x7d: {  	_ =	sfence.sel $0x180000  }
0x7e: {  	[bflag:$0x0] =	sbarrier.arrive $0xFFFF  }
0x7f: {  	p0 =	sne.s32 s1, $0x0;
	_ =	strace $0x90000047  }
0x80: {  	s0 =	sadd.s32 @!p0 $0x100000, s0;
	[bflag:$0x2] =	sbarrier.arrive $0xFFFF  }
0x81: {  	[sflag:s0] =	ssyncadd.tile.s32 @!p0 $0x1;
	_ =	shalt  }
.Lfunc_end2:
_tile_overlayer_lowered:
.L_overlay_start_2:
0x82: {  	(tag) =	ssettag $0x2  }
0x83: {  	s0 =	rddreg [dreg:$0x0];
	s2 =	stileid.u32  }
0x84: {  	s1 =	rddreg [dreg:$0x1];
	p0 =	sne.s32 s2, $0x0  }
0x85: {  	s3 =	rddreg [dreg:$0x2];
	[bflag:$0x3] =	sbarrier.arrive $0xFFFF;
	s2 =	simm.s32 @!p0 $0x1C01  }
0x86: {  	[timem:s3], [sflag:s2] =	dma.local @!p0 [hbm:s0], s1  }
0x87: {  	s0 =	simm.s32 @!p0 $0x1  }
0x88: {  	_ =	swait.ge @!p0 [sflag:s0], s1  }
0x89: {  	s1 =	ssub.s32 @!p0 $0x0, s1;
	[sflag:s0] =	ssyncset.done @!p0 $0x0  }
0x8a: {  	[sflag:s0] =	ssyncadd.s32 @!p0 s1  }
0x8b: {  	[bflag:$0x3] =	sbarrier.arrive $0xFFFF  }
0x8c: {  	_ =	shalt  }

</sc_bundles>
